<compile_context>
chip_gen: v7x
topology: tpu7x:2x2x1
jax: 0.10.2.dev20260603
libtpu: 0.0.44.dev20260713+nightly
codegen_flags: <defaults>
</compile_context>

<pallas_src>
import functools

import jax
import jax.numpy as jnp
from jax import lax
from jax.experimental import pallas as pl
from jax.experimental.pallas import tpu as pltpu
from jax.experimental.pallas import tpu_sc as plsc

N = 10000
NB = 166
EB = 1328
E = 640000

NC = 2
NS = 16
K = 128
CPT = 157
EPAD = NC * NS * K * CPT
EPC = EPAD // NC
EPT = CPT * K
RNG = 5056
RACC = 5120
SEGR = RACC // NS

P = 40
NBLK = 5000 // P
EBLK = 2048


def _relu(x):
    return jnp.maximum(x, 0.0)


def _a1_body(low_ref, srcb_ref, dstb_ref, gbn_ref, bbn_ref, wlow_ref,
             blow_ref, gm_ref, bm_ref, low_emb_ref, a_ref):
    x = low_ref[...]
    mean = jnp.mean(x, axis=0, keepdims=True)
    var = jnp.mean((x - mean) ** 2, axis=0, keepdims=True)
    xn = gbn_ref[...] * (x - mean) * lax.rsqrt(var + 1e-5) + bbn_ref[...]
    lx = _relu(jnp.dot(xn, wlow_ref[...],
                       preferred_element_type=jnp.float32) + blow_ref[...])
    m2 = jnp.mean(lx, axis=0, keepdims=True)
    v2 = jnp.mean((lx - m2) ** 2, axis=0, keepdims=True)
    low_emb_ref[...] = gm_ref[...] * (lx - m2) * lax.rsqrt(v2 + 1e-5) + bm_ref[...]

    dcol = dstb_ref[...]
    scol = srcb_ref[...]
    il = lax.broadcasted_iota(jnp.int32, (EB, NB), 1)
    ob_d = (dcol == il).astype(jnp.float32)
    ob_s = (scol == il).astype(jnp.float32)
    deg = jnp.sum(ob_d, axis=0, keepdims=True) + 1.0
    dinv = lax.rsqrt(deg)
    dv_d = jnp.sum(ob_d * dinv, axis=1, keepdims=True)
    dv_s = jnp.sum(ob_s * dinv, axis=1, keepdims=True)
    araw = lax.dot_general(ob_d * (dv_d * dv_s), ob_s,
                           (((0,), (0,)), ((), ())),
                           preferred_element_type=jnp.float32)
    ir = lax.broadcasted_iota(jnp.int32, (NB, NB), 0)
    ic = lax.broadcasted_iota(jnp.int32, (NB, NB), 1)
    a_ref[...] = araw + jnp.where(ir == ic, dinv * dinv, 0.0)


def _a2_body(x0_ref, x1_ref, x2_ref, a_ref, low_ref, w1x_ref, bt1_ref,
             w2p_ref, bt2_ref, wfgp_ref, wflp_ref, btf_ref, wc1p_ref,
             xw_ref):
    amat = a_ref[...]
    nt = (((1,), (1,)), ((), ()))
    t0 = lax.dot_general(amat, x0_ref[...], nt,
                         preferred_element_type=jnp.float32)
    t1 = lax.dot_general(amat, x1_ref[...], nt,
                         preferred_element_type=jnp.float32)
    t2 = lax.dot_general(amat, x2_ref[...], nt,
                         preferred_element_type=jnp.float32)
    tcat = jnp.concatenate([t0, t1, t2], axis=1)
    g1 = _relu(jnp.dot(tcat, w1x_ref[...],
                       preferred_element_type=jnp.float32) + bt1_ref[...])
    r4 = jnp.reshape(g1, (NB * P, 128))
    r5 = jnp.dot(r4, w2p_ref[...], preferred_element_type=jnp.float32)
    r6 = jnp.reshape(r5, (NB, P * 128))
    g2 = _relu(jnp.dot(amat, r6, preferred_element_type=jnp.float32)
               + bt2_ref[...])
    s = jnp.sum(g2, axis=0, keepdims=True)
    gg = jnp.reshape(s, (P, 128))
    h = _relu(jnp.dot(gg, wfgp_ref[...], preferred_element_type=jnp.float32)
              + jnp.dot(low_ref[...], wflp_ref[...],
                        preferred_element_type=jnp.float32)
              + btf_ref[...])
    xw_ref[...] = jnp.dot(h, wc1p_ref[...], preferred_element_type=jnp.float32)


def _h_body(d_ref, deg_ref):
    i = pl.program_id(0)
    d = d_ref[...]
    hi = lax.shift_right_logical(d, 7)
    lo = jnp.bitwise_and(d, 127)
    ih = lax.broadcasted_iota(jnp.int32, (EBLK, 80), 1)
    il = lax.broadcasted_iota(jnp.int32, (EBLK, 128), 1)
    ohh = (hi == ih).astype(jnp.float32)
    ohl = (lo == il).astype(jnp.float32)
    blk = lax.dot_general(ohh, ohl, (((0,), (0,)), ((), ())),
                          preferred_element_type=jnp.float32)

    @pl.when(i == 0)
    def _():
        deg_ref[...] = jnp.zeros_like(deg_ref)

    deg_ref[...] += blk


def _b_body(deg_ref, xw_ref, y_ref, dinv_ref):
    deg = deg_ref[...] + 1.0
    dinv = lax.rsqrt(deg)
    xw = xw_ref[...]
    y_ref[:, 0:64] = xw * dinv
    y_ref[:, 64:128] = jnp.zeros((N, 64), jnp.float32)
    dinv_ref[...] = jnp.broadcast_to(dinv, (N, 64))


def _c_body(p0_ref, p1_ref, dinv_ref, xw_ref, bc1_ref, wcls_ref, bcls_ref,
            out_ref):
    dinv = dinv_ref[...]
    conv = (dinv * (p0_ref[...] + p1_ref[...])
            + dinv * dinv * xw_ref[...] + bc1_ref[...])
    t = jnp.tanh(conv)
    logits = jnp.dot(t, wcls_ref[...],
                     preferred_element_type=jnp.float32) + bcls_ref[...]
    m = jnp.max(logits, axis=1, keepdims=True)
    lse = jnp.log(jnp.sum(jnp.exp(logits - m), axis=1, keepdims=True)) + m
    out_ref[...] = logits - lse


def _s2_body(src_hbm, dst_hbm, y_hbm, zero_hbm, out_hbm, si_v, di_v, dj_v,
             rows_v, buf_v, acc_sh, sem):
    c = lax.axis_index("c")
    s = lax.axis_index("s")
    base = c * EPC + s * EPT

    for p in range(2):
        lo = p * RNG
        hi = lo + RNG
        pltpu.sync_copy(zero_hbm, buf_v)
        pltpu.sync_copy(buf_v, acc_sh.at[pl.ds(s * SEGR, SEGR)])
        plsc.subcore_barrier()

        def chunk(j, carry):
            pltpu.sync_copy(src_hbm.at[pl.ds(base + j * K, K)], si_v)
            pltpu.sync_copy(dst_hbm.at[pl.ds(base + j * K, K)], di_v)
            for q in range(K // 16):
                d16 = di_v[pl.ds(q * 16, 16)]
                m = jnp.logical_and(d16 >= lo, d16 < hi)
                dj_v[pl.ds(q * 16, 16)] = jnp.where(m, d16 - lo, RNG)
            pltpu.async_copy(y_hbm.at[si_v], rows_v, sem).wait()
            pltpu.sync_copy(rows_v, acc_sh.at[dj_v], add=True)
            return carry

        lax.fori_loop(0, CPT, chunk, 0)
        plsc.subcore_barrier()

        pltpu.sync_copy(acc_sh.at[pl.ds(s * SEGR, SEGR)], buf_v)
        pltpu.sync_copy(
            buf_v, out_hbm.at[pl.ds((c * 2 + p) * RACC + s * SEGR, SEGR)])
        plsc.subcore_barrier()


def _blockdiag2(w):
    z = jnp.zeros_like(w)
    return jnp.concatenate(
        [jnp.concatenate([w, z], axis=1), jnp.concatenate([z, w], axis=1)],
        axis=0)


def kernel(high_dim_features, low_dim_features, brain_edge_index, edge_index,
           gamma_bnlow, beta_bnlow, W_low, b_low, gamma_mlplow, beta_mlplow,
           W_g1, b_g1, W_g2, b_g2, W_fc1, b_fc1, W_c1, b_c1, W_cls, b_cls):
    f32 = jnp.float32
    x3 = high_dim_features.reshape(N, NB, 3)
    x0 = x3[:, :, 0]
    x1 = x3[:, :, 1]
    x2 = x3[:, :, 2]
    srcb = brain_edge_index[0].reshape(EB, 1)
    dstb = brain_edge_index[1].reshape(EB, 1)
    src = edge_index[0]
    dst = edge_index[1]
    src_p = jnp.concatenate([src, jnp.zeros((EPAD - E,), jnp.int32)])
    dst_p = jnp.concatenate([dst, jnp.full((EPAD - E,), N, jnp.int32)])

    gbn = gamma_bnlow.reshape(1, 64)
    bbn = beta_bnlow.reshape(1, 64)
    blow = b_low.reshape(1, 64)
    gm = gamma_mlplow.reshape(1, 64)
    bm = beta_mlplow.reshape(1, 64)

    bidx = jnp.arange(2 * P)
    ohp = (bidx[:, None] // 2 == jnp.arange(P)[None, :]).astype(f32)
    w4 = ohp[None, :, :, None] * W_g1[:, None, None, :]
    s_of = (bidx % 2).astype(f32)[None, :, None, None]
    w1x = jnp.concatenate([w4 * (1.0 - s_of), w4 * s_of],
                          axis=3).reshape(3 * 2 * P, P * 128)
    b1pair = jnp.concatenate([b_g1, b_g1])
    bt1 = jnp.tile(b1pair, P).reshape(1, P * 128)
    w2p = _blockdiag2(W_g2)
    bt2 = jnp.tile(jnp.concatenate([b_g2, b_g2]), P).reshape(1, P * 128)
    wfgp = _blockdiag2(W_fc1[:64]) / jnp.asarray(NB, f32)
    wflp = _blockdiag2(W_fc1[64:])
    btf = jnp.concatenate([b_fc1, b_fc1]).reshape(1, 128)
    wc1p = _blockdiag2(W_c1)
    bc1 = b_c1.reshape(1, 64)
    bcls = b_cls.reshape(1, 10)

    low_emb, a_br = pl.pallas_call(
        _a1_body,
        out_shape=[jax.ShapeDtypeStruct((N, 64), f32),
                   jax.ShapeDtypeStruct((NB, NB), f32)],
    )(low_dim_features, srcb, dstb, gbn, bbn, W_low, blow, gm, bm)

    low_pair = low_emb.reshape(N // 2, 128)

    full = lambda shape: pl.BlockSpec(shape, lambda i: tuple(0 for _ in shape))
    xw_pair = pl.pallas_call(
        _a2_body,
        grid=(NBLK,),
        in_specs=[
            pl.BlockSpec((2 * P, NB), lambda i: (i, 0)),
            pl.BlockSpec((2 * P, NB), lambda i: (i, 0)),
            pl.BlockSpec((2 * P, NB), lambda i: (i, 0)),
            full((NB, NB)),
            pl.BlockSpec((P, 128), lambda i: (i, 0)),
            full((6 * P, P * 128)), full((1, P * 128)), full((128, 128)),
            full((1, P * 128)), full((128, 128)), full((128, 128)),
            full((1, 128)), full((128, 128)),
        ],
        out_specs=pl.BlockSpec((P, 128), lambda i: (i, 0)),
        out_shape=jax.ShapeDtypeStruct((N // 2, 128), f32),
    )(x0, x1, x2, a_br, low_pair, w1x, bt1, w2p, bt2, wfgp, wflp, btf, wc1p)
    xw = xw_pair.reshape(N, 64)

    deg2d = pl.pallas_call(
        _h_body,
        grid=(EPAD // EBLK,),
        in_specs=[pl.BlockSpec((EBLK, 1), lambda i: (i, 0))],
        out_specs=pl.BlockSpec((80, 128), lambda i: (0, 0)),
        out_shape=jax.ShapeDtypeStruct((80, 128), f32),
    )(dst_p.reshape(EPAD, 1))
    deg_col = deg2d.reshape(80 * 128, 1)[:N]

    y, dinv64 = pl.pallas_call(
        _b_body,
        out_shape=[jax.ShapeDtypeStruct((N, 128), f32),
                   jax.ShapeDtypeStruct((N, 64), f32)],
    )(deg_col, xw)

    mesh = plsc.VectorSubcoreMesh(core_axis_name="c", subcore_axis_name="s",
                                  num_cores=NC, num_subcores=NS)
    zrows = jnp.zeros((SEGR, 128), f32)
    part = pl.kernel(
        _s2_body,
        out_type=jax.ShapeDtypeStruct((NC * 2 * RACC, 128), f32),
        mesh=mesh,
        scratch_types=[
            pltpu.VMEM((K,), jnp.int32),
            pltpu.VMEM((K,), jnp.int32),
            pltpu.VMEM((K,), jnp.int32),
            pltpu.VMEM((K, 128), f32),
            pltpu.VMEM((SEGR, 128), f32),
            pltpu.VMEM_SHARED((RACC, 128), f32),
            pltpu.SemaphoreType.DMA,
        ],
    )(src_p, dst_p, y, zrows)
    o4 = part.reshape(NC, 2, RACC, 128)
    p0 = o4[0, :, :RNG].reshape(2 * RNG, 128)[:N, :64]
    p1 = o4[1, :, :RNG].reshape(2 * RNG, 128)[:N, :64]

    out = pl.pallas_call(
        _c_body,
        out_shape=jax.ShapeDtypeStruct((N, 10), f32),
    )(p0, p1, dinv64, xw, bc1, W_cls, bcls)
    return out

# --- scband reference (transcript-rebuilt; emitter-appended) ---
"""Pipeline reference for scband-graph-based-gcn-85856396247984 (READ-ONLY COPY).

The authoritative reference and input builder live on the scoring server;
editing this copy changes nothing except your own understanding.
"""

import jax, jax.numpy as jnp
import numpy as np

N_NODES = 10000
N_EDGES = 640000
NB = 166
EB = 1328


def batchnorm(x, gamma, beta, eps=1e-5):
    mean = jnp.mean(x, axis=0)
    var = jnp.var(x, axis=0)
    return gamma * (x - mean) / jnp.sqrt(var + eps) + beta


def build_norm_adj(edge_index, n):
    src = edge_index[0]
    dst = edge_index[1]
    loop = jnp.arange(n, dtype=src.dtype)
    src = jnp.concatenate([src, loop])
    dst = jnp.concatenate([dst, loop])
    deg = jax.ops.segment_sum(jnp.ones(src.shape[0], jnp.float32), dst, num_segments=n)
    dinv = jnp.where(deg > 0, 1.0 / jnp.sqrt(deg), 0.0)
    norm = dinv[src] * dinv[dst]
    A = jnp.zeros((n, n), jnp.float32).at[dst, src].add(norm)
    return A


def gcn_conv(x, edge_index, W, b, n):
    src = edge_index[0]
    dst = edge_index[1]
    loop = jnp.arange(n, dtype=src.dtype)
    src = jnp.concatenate([src, loop])
    dst = jnp.concatenate([dst, loop])
    deg = jax.ops.segment_sum(jnp.ones(src.shape[0], jnp.float32), dst, num_segments=n)
    dinv = jnp.where(deg > 0, 1.0 / jnp.sqrt(deg), 0.0)
    norm = dinv[src] * dinv[dst]
    xw = x @ W
    msgs = xw[src] * norm[:, None]
    return jax.ops.segment_sum(msgs, dst, num_segments=n) + b


def setup_inputs(seed: int = 0):
    key = jax.random.key(seed)
    ks = jax.random.split(key, 24)
    inp = {}
    inp["high_dim_features"] = jax.random.normal(ks[0], (N_NODES, 498), dtype=jnp.float32)
    inp["low_dim_features"] = jax.random.normal(ks[1], (N_NODES, 64), dtype=jnp.float32)
    inp["brain_edge_index"] = jax.random.randint(ks[2], (2, EB), 0, NB, dtype=jnp.int32)
    inp["edge_index"] = jax.random.randint(ks[3], (2, N_EDGES), 0, N_NODES, dtype=jnp.int32)
    inp["gamma_bnlow"] = jnp.ones((64,), jnp.float32)
    inp["beta_bnlow"] = jnp.zeros((64,), jnp.float32)
    inp["W_low"] = jax.random.normal(ks[4], (64, 64), dtype=jnp.float32) * 0.05
    inp["b_low"] = jnp.zeros((64,), jnp.float32)
    inp["gamma_mlplow"] = jnp.ones((64,), jnp.float32)
    inp["beta_mlplow"] = jnp.zeros((64,), jnp.float32)
    inp["W_g1"] = jax.random.normal(ks[5], (3, 64), dtype=jnp.float32) * 0.05
    inp["b_g1"] = jnp.zeros((64,), jnp.float32)
    inp["W_g2"] = jax.random.normal(ks[6], (64, 64), dtype=jnp.float32) * 0.05
    inp["b_g2"] = jnp.zeros((64,), jnp.float32)
    inp["W_fc1"] = jax.random.normal(ks[7], (128, 64), dtype=jnp.float32) * 0.05
    inp["b_fc1"] = jnp.zeros((64,), jnp.float32)
    inp["W_c1"] = jax.random.normal(ks[8], (64, 64), dtype=jnp.float32) * 0.05
    inp["b_c1"] = jnp.zeros((64,), jnp.float32)
    inp["W_cls"] = jax.random.normal(ks[9], (64, 10), dtype=jnp.float32) * 0.05
    inp["b_cls"] = jnp.zeros((10,), jnp.float32)
    return inp


def reference(high_dim_features, low_dim_features, brain_edge_index, edge_index,
              gamma_bnlow, beta_bnlow, W_low, b_low, gamma_mlplow, beta_mlplow,
              W_g1, b_g1, W_g2, b_g2, W_fc1, b_fc1, W_c1, b_c1, W_cls, b_cls):
    N = high_dim_features.shape[0]
    # low-dim path: BatchNorm -> MLP(linear -> relu -> BatchNorm)
    lx = batchnorm(low_dim_features, gamma_bnlow, beta_bnlow)
    lx = jax.nn.relu(lx @ W_low + b_low)
    low_emb = batchnorm(lx, gamma_mlplow, beta_mlplow)
    # brain graph path: reshape to [N, 166, 3], 2-layer GCN over 166-node graph
    x3 = high_dim_features.reshape(N, NB, 3)
    A = build_norm_adj(brain_edge_index, NB)  # normalized adjacency w/ self loops
    g = jax.nn.relu(jnp.einsum('ij,bjf->bif', A, x3 @ W_g1) + b_g1)
    g = jax.nn.relu(jnp.einsum('ij,bjf->bif', A, g @ W_g2) + b_g2)
    gg = jnp.mean(g, axis=1)
    comb = jnp.concatenate([gg, low_emb], axis=1)
    h = jax.nn.relu(comb @ W_fc1 + b_fc1)
    h = gcn_conv(h, edge_index, W_c1, b_c1, N)
    h = jnp.tanh(h)
    # dropout(p=0.3) treated as identity (eval / deterministic reference)
    logits = h @ W_cls + b_cls
    p = jax.nn.softmax(logits, axis=1)
    return jnp.log(p)

if __name__ == "__main__":
    import jax
    _d = setup_inputs()
    print(jax.jit(kernel)(*tuple(_d.values())))

</pallas_src>

<mosaic_0001>
#map = affine_map<(d0, d1) -> (0)>
#map1 = affine_map<(d0, d1) -> (0, 0)>
module attributes {stable_mosaic.version = 14 : i64} {
  func.func @_s2_body(%arg0: i32, %arg1: i32, %arg2: memref<643072xi32, #tpu.memory_space<hbm>>, %arg3: memref<643072xi32, #tpu.memory_space<hbm>>, %arg4: memref<10000x128xf32, #tpu.memory_space<hbm>>, %arg5: memref<320x128xf32, #tpu.memory_space<hbm>>, %arg6: memref<20480x128xf32, #tpu.memory_space<hbm>>, %arg7: memref<128xi32, #tpu.memory_space<vmem>>, %arg8: memref<128xi32, #tpu.memory_space<vmem>>, %arg9: memref<128xi32, #tpu.memory_space<vmem>>, %arg10: memref<128x128xf32, #tpu.memory_space<vmem>>, %arg11: memref<320x128xf32, #tpu.memory_space<vmem>>, %arg12: memref<5120x128xf32, #tpu.memory_space<vmem_shared>>, %arg13: memref<!tpu.dma_semaphore, #tpu.memory_space<semaphore_mem>>) attributes {dimension_semantics = [#tpu.dimension_semantics<core_parallel>, #tpu.dimension_semantics<subcore_parallel>], iteration_bounds = array<i64: 2, 16>, scalar_prefetch = 0 : i64, scratch_operands = 7 : i64, tpu.core_type = #tpu.core_type<sc_vector_subcore>, window_params = [{transform_indices = #map}, {transform_indices = #map}, {transform_indices = #map1}, {transform_indices = #map1}, {transform_indices = #map1}]} {
    %mul3A = arith.constant 321536 : i32
    %mul3A_0 = arith.muli %arg0, %mul3A : i32
    %mul3A_1 = arith.constant 20096 : i32
    %mul3A_2 = arith.muli %arg1, %mul3A_1 : i32
    %add3A = arith.addi %mul3A_0, %mul3A_2 : i32
    "tpu.region"() ({
      %run_scoped3A = tpu.sem_alloc : memref<!tpu.dma_semaphore, #tpu.memory_space<semaphore_mem>>
      tpu.enqueue_dma source(%arg5 : memref<320x128xf32, #tpu.memory_space<hbm>>) target(%arg11 : memref<320x128xf32, #tpu.memory_space<vmem>>) target_semaphore(%run_scoped3A : memref<!tpu.dma_semaphore, #tpu.memory_space<semaphore_mem>>)
      tpu.wait_dma2 semaphore(%run_scoped3A : memref<!tpu.dma_semaphore, #tpu.memory_space<semaphore_mem>>) src(%arg5 : memref<320x128xf32, #tpu.memory_space<hbm>>) dst(%arg11 : memref<320x128xf32, #tpu.memory_space<vmem>>)
      tpu.yield
    }) : () -> ()
    %mul3A_3 = arith.constant 320 : i32
    %mul3A_4 = arith.muli %arg1, %mul3A_3 : i32
    "tpu.region"() ({
      %run_scoped3A = tpu.sem_alloc : memref<!tpu.dma_semaphore, #tpu.memory_space<semaphore_mem>>
      %dma_start3A = arith.constant 0 : i32
      %dma_start3A_45 = tpu.memref_slice %arg12[%mul3A_4, %dma_start3A] : memref<5120x128xf32, #tpu.memory_space<vmem_shared>> -> memref<320x128xf32, #tpu.memory_space<vmem_shared>>
      %dma_start3A_46 = arith.constant 0 : i32
      %dma_start3A_47 = tpu.memref_slice %arg12[%mul3A_4, %dma_start3A_46] : memref<5120x128xf32, #tpu.memory_space<vmem_shared>> -> memref<320x128xf32, #tpu.memory_space<vmem_shared>>
      tpu.enqueue_dma source(%arg11 : memref<320x128xf32, #tpu.memory_space<vmem>>) target(%dma_start3A_47 : memref<320x128xf32, #tpu.memory_space<vmem_shared>>) target_semaphore(%run_scoped3A : memref<!tpu.dma_semaphore, #tpu.memory_space<semaphore_mem>>)
      %dma_wait3A = arith.constant 0 : i32
      %dma_wait3A_48 = tpu.memref_slice %arg12[%mul3A_4, %dma_wait3A] : memref<5120x128xf32, #tpu.memory_space<vmem_shared>> -> memref<320x128xf32, #tpu.memory_space<vmem_shared>>
      %dma_wait3A_49 = arith.constant 0 : i32
      %dma_wait3A_50 = tpu.memref_slice %arg12[%mul3A_4, %dma_wait3A_49] : memref<5120x128xf32, #tpu.memory_space<vmem_shared>> -> memref<320x128xf32, #tpu.memory_space<vmem_shared>>
      tpu.wait_dma2 semaphore(%run_scoped3A : memref<!tpu.dma_semaphore, #tpu.memory_space<semaphore_mem>>) src(%arg11 : memref<320x128xf32, #tpu.memory_space<vmem>>) dst(%dma_wait3A_50 : memref<320x128xf32, #tpu.memory_space<vmem_shared>>)
      tpu.yield
    }) : () -> ()
    %barrier3A = arith.constant 0 : index
    tpu.barrier barrier_id(%barrier3A)
    %scan3A = arith.constant 0 : i32
    %scan3A_5 = arith.constant 0 : i32
    %scan3A_6 = arith.constant 157 : i32
    %scan3A_7 = arith.addi %scan3A_5, %scan3A_6 : i32
    %scan3A_8 = arith.constant 1 : i32
    scf.for %scan3A_45 = %scan3A_5 to %scan3A_7 step %scan3A_8  : i32 {
      %mul3A_46 = arith.constant 128 : i32
      %mul3A_47 = arith.muli %scan3A_45, %mul3A_46 : i32
      %add3A_48 = arith.addi %add3A, %mul3A_47 : i32
      "tpu.region"() ({
        %run_scoped3A = tpu.sem_alloc : memref<!tpu.dma_semaphore, #tpu.memory_space<semaphore_mem>>
        %dma_start3A_207 = tpu.memref_slice %arg2[%add3A_48] : memref<643072xi32, #tpu.memory_space<hbm>> -> memref<128xi32, #tpu.memory_space<hbm>>
        %dma_start3A_208 = tpu.memref_slice %arg2[%add3A_48] : memref<643072xi32, #tpu.memory_space<hbm>> -> memref<128xi32, #tpu.memory_space<hbm>>
        tpu.enqueue_dma source(%dma_start3A_208 : memref<128xi32, #tpu.memory_space<hbm>>) target(%arg7 : memref<128xi32, #tpu.memory_space<vmem>>) target_semaphore(%run_scoped3A : memref<!tpu.dma_semaphore, #tpu.memory_space<semaphore_mem>>)
        %dma_wait3A_209 = tpu.memref_slice %arg2[%add3A_48] : memref<643072xi32, #tpu.memory_space<hbm>> -> memref<128xi32, #tpu.memory_space<hbm>>
        %dma_wait3A_210 = tpu.memref_slice %arg2[%add3A_48] : memref<643072xi32, #tpu.memory_space<hbm>> -> memref<128xi32, #tpu.memory_space<hbm>>
        tpu.wait_dma2 semaphore(%run_scoped3A : memref<!tpu.dma_semaphore, #tpu.memory_space<semaphore_mem>>) src(%dma_wait3A_210 : memref<128xi32, #tpu.memory_space<hbm>>) dst(%arg7 : memref<128xi32, #tpu.memory_space<vmem>>)
        tpu.yield
      }) : () -> ()
      %mul3A_49 = arith.constant 128 : i32
      %mul3A_50 = arith.muli %scan3A_45, %mul3A_49 : i32
      %add3A_51 = arith.addi %add3A, %mul3A_50 : i32
      "tpu.region"() ({
        %run_scoped3A = tpu.sem_alloc : memref<!tpu.dma_semaphore, #tpu.memory_space<semaphore_mem>>
        %dma_start3A_207 = tpu.memref_slice %arg3[%add3A_51] : memref<643072xi32, #tpu.memory_space<hbm>> -> memref<128xi32, #tpu.memory_space<hbm>>
        %dma_start3A_208 = tpu.memref_slice %arg3[%add3A_51] : memref<643072xi32, #tpu.memory_space<hbm>> -> memref<128xi32, #tpu.memory_space<hbm>>
        tpu.enqueue_dma source(%dma_start3A_208 : memref<128xi32, #tpu.memory_space<hbm>>) target(%arg8 : memref<128xi32, #tpu.memory_space<vmem>>) target_semaphore(%run_scoped3A : memref<!tpu.dma_semaphore, #tpu.memory_space<semaphore_mem>>)
        %dma_wait3A_209 = tpu.memref_slice %arg3[%add3A_51] : memref<643072xi32, #tpu.memory_space<hbm>> -> memref<128xi32, #tpu.memory_space<hbm>>
        %dma_wait3A_210 = tpu.memref_slice %arg3[%add3A_51] : memref<643072xi32, #tpu.memory_space<hbm>> -> memref<128xi32, #tpu.memory_space<hbm>>
        tpu.wait_dma2 semaphore(%run_scoped3A : memref<!tpu.dma_semaphore, #tpu.memory_space<semaphore_mem>>) src(%dma_wait3A_210 : memref<128xi32, #tpu.memory_space<hbm>>) dst(%arg8 : memref<128xi32, #tpu.memory_space<vmem>>)
        tpu.yield
      }) : () -> ()
      %get3A = arith.constant 0 : index
      %get3A_52 = tpu.vector_load %arg8[%get3A] {strides = array<i32>} : memref<128xi32, #tpu.memory_space<vmem>>, vector<16xi32>,
      %get3A_53 = vector.shape_cast %get3A_52 : vector<16xi32> to vector<16xi32>
      %ge3A = arith.constant 0 : i32
      %ge3A_54 = vector.broadcast %ge3A : i32 to vector<16xi32>
      %ge3A_55 = arith.cmpi sge, %get3A_53, %ge3A_54 : vector<16xi32>
      %lt3A = arith.constant 5056 : i32
      %lt3A_56 = vector.broadcast %lt3A : i32 to vector<16xi32>
      %lt3A_57 = arith.cmpi slt, %get3A_53, %lt3A_56 : vector<16xi32>
      %and3A = arith.andi %ge3A_55, %lt3A_57 : vector<16xi1>
      %sub3A = arith.constant 0 : i32
      %sub3A_58 = vector.broadcast %sub3A : i32 to vector<16xi32>
      %sub3A_59 = arith.subi %get3A_53, %sub3A_58 : vector<16xi32>
      %jit3A = arith.constant 5056 : i32
      %broadcast_in_dim3A = vector.broadcast %jit3A : i32 to vector<16xi32>
      %select_n3A = arith.select %and3A, %sub3A_59, %broadcast_in_dim3A : vector<16xi1>, vector<16xi32>
      %swap3A = arith.constant 0 : index
      %swap3A_60 = tpu.vector_load %arg9[%swap3A] {strides = array<i32>} : memref<128xi32, #tpu.memory_space<vmem>>, vector<16xi32>,
      %swap3A_61 = vector.shape_cast %swap3A_60 : vector<16xi32> to vector<16xi32>
      %swap3A_62 = vector.shape_cast %select_n3A : vector<16xi32> to vector<16xi32>
      tpu.vector_store %arg9[%swap3A], %swap3A_62 {strides = array<i32>} : memref<128xi32, #tpu.memory_space<vmem>>, vector<16xi32>,
      %get3A_63 = arith.constant 16 : index
      %get3A_64 = tpu.vector_load %arg8[%get3A_63] {strides = array<i32>} : memref<128xi32, #tpu.memory_space<vmem>>, vector<16xi32>,
      %get3A_65 = vector.shape_cast %get3A_64 : vector<16xi32> to vector<16xi32>
      %ge3A_66 = arith.constant 0 : i32
      %ge3A_67 = vector.broadcast %ge3A_66 : i32 to vector<16xi32>
      %ge3A_68 = arith.cmpi sge, %get3A_65, %ge3A_67 : vector<16xi32>
      %lt3A_69 = arith.constant 5056 : i32
      %lt3A_70 = vector.broadcast %lt3A_69 : i32 to vector<16xi32>
      %lt3A_71 = arith.cmpi slt, %get3A_65, %lt3A_70 : vector<16xi32>
      %and3A_72 = arith.andi %ge3A_68, %lt3A_71 : vector<16xi1>
      %sub3A_73 = arith.constant 0 : i32
      %sub3A_74 = vector.broadcast %sub3A_73 : i32 to vector<16xi32>
      %sub3A_75 = arith.subi %get3A_65, %sub3A_74 : vector<16xi32>
      %jit3A_76 = arith.constant 5056 : i32
      %broadcast_in_dim3A_77 = vector.broadcast %jit3A_76 : i32 to vector<16xi32>
      %select_n3A_78 = arith.select %and3A_72, %sub3A_75, %broadcast_in_dim3A_77 : vector<16xi1>, vector<16xi32>
      %swap3A_79 = arith.constant 16 : index
      %swap3A_80 = tpu.vector_load %arg9[%swap3A_79] {strides = array<i32>} : memref<128xi32, #tpu.memory_space<vmem>>, vector<16xi32>,
      %swap3A_81 = vector.shape_cast %swap3A_80 : vector<16xi32> to vector<16xi32>
      %swap3A_82 = vector.shape_cast %select_n3A_78 : vector<16xi32> to vector<16xi32>
      tpu.vector_store %arg9[%swap3A_79], %swap3A_82 {strides = array<i32>} : memref<128xi32, #tpu.memory_space<vmem>>, vector<16xi32>,
      %get3A_83 = arith.constant 32 : index
      %get3A_84 = tpu.vector_load %arg8[%get3A_83] {strides = array<i32>} : memref<128xi32, #tpu.memory_space<vmem>>, vector<16xi32>,
      %get3A_85 = vector.shape_cast %get3A_84 : vector<16xi32> to vector<16xi32>
      %ge3A_86 = arith.constant 0 : i32
      %ge3A_87 = vector.broadcast %ge3A_86 : i32 to vector<16xi32>
      %ge3A_88 = arith.cmpi sge, %get3A_85, %ge3A_87 : vector<16xi32>
      %lt3A_89 = arith.constant 5056 : i32
      %lt3A_90 = vector.broadcast %lt3A_89 : i32 to vector<16xi32>
      %lt3A_91 = arith.cmpi slt, %get3A_85, %lt3A_90 : vector<16xi32>
      %and3A_92 = arith.andi %ge3A_88, %lt3A_91 : vector<16xi1>
      %sub3A_93 = arith.constant 0 : i32
      %sub3A_94 = vector.broadcast %sub3A_93 : i32 to vector<16xi32>
      %sub3A_95 = arith.subi %get3A_85, %sub3A_94 : vector<16xi32>
      %jit3A_96 = arith.constant 5056 : i32
      %broadcast_in_dim3A_97 = vector.broadcast %jit3A_96 : i32 to vector<16xi32>
      %select_n3A_98 = arith.select %and3A_92, %sub3A_95, %broadcast_in_dim3A_97 : vector<16xi1>, vector<16xi32>
      %swap3A_99 = arith.constant 32 : index
      %swap3A_100 = tpu.vector_load %arg9[%swap3A_99] {strides = array<i32>} : memref<128xi32, #tpu.memory_space<vmem>>, vector<16xi32>,
      %swap3A_101 = vector.shape_cast %swap3A_100 : vector<16xi32> to vector<16xi32>
      %swap3A_102 = vector.shape_cast %select_n3A_98 : vector<16xi32> to vector<16xi32>
      tpu.vector_store %arg9[%swap3A_99], %swap3A_102 {strides = array<i32>} : memref<128xi32, #tpu.memory_space<vmem>>, vector<16xi32>,
      %get3A_103 = arith.constant 48 : index
      %get3A_104 = tpu.vector_load %arg8[%get3A_103] {strides = array<i32>} : memref<128xi32, #tpu.memory_space<vmem>>, vector<16xi32>,
      %get3A_105 = vector.shape_cast %get3A_104 : vector<16xi32> to vector<16xi32>
      %ge3A_106 = arith.constant 0 : i32
      %ge3A_107 = vector.broadcast %ge3A_106 : i32 to vector<16xi32>
      %ge3A_108 = arith.cmpi sge, %get3A_105, %ge3A_107 : vector<16xi32>
      %lt3A_109 = arith.constant 5056 : i32
      %lt3A_110 = vector.broadcast %lt3A_109 : i32 to vector<16xi32>
      %lt3A_111 = arith.cmpi slt, %get3A_105, %lt3A_110 : vector<16xi32>
      %and3A_112 = arith.andi %ge3A_108, %lt3A_111 : vector<16xi1>
      %sub3A_113 = arith.constant 0 : i32
      %sub3A_114 = vector.broadcast %sub3A_113 : i32 to vector<16xi32>
      %sub3A_115 = arith.subi %get3A_105, %sub3A_114 : vector<16xi32>
      %jit3A_116 = arith.constant 5056 : i32
      %broadcast_in_dim3A_117 = vector.broadcast %jit3A_116 : i32 to vector<16xi32>
      %select_n3A_118 = arith.select %and3A_112, %sub3A_115, %broadcast_in_dim3A_117 : vector<16xi1>, vector<16xi32>
      %swap3A_119 = arith.constant 48 : index
      %swap3A_120 = tpu.vector_load %arg9[%swap3A_119] {strides = array<i32>} : memref<128xi32, #tpu.memory_space<vmem>>, vector<16xi32>,
      %swap3A_121 = vector.shape_cast %swap3A_120 : vector<16xi32> to vector<16xi32>
      %swap3A_122 = vector.shape_cast %select_n3A_118 : vector<16xi32> to vector<16xi32>
      tpu.vector_store %arg9[%swap3A_119], %swap3A_122 {strides = array<i32>} : memref<128xi32, #tpu.memory_space<vmem>>, vector<16xi32>,
      %get3A_123 = arith.constant 64 : index
      %get3A_124 = tpu.vector_load %arg8[%get3A_123] {strides = array<i32>} : memref<128xi32, #tpu.memory_space<vmem>>, vector<16xi32>,
      %get3A_125 = vector.shape_cast %get3A_124 : vector<16xi32> to vector<16xi32>
      %ge3A_126 = arith.constant 0 : i32
      %ge3A_127 = vector.broadcast %ge3A_126 : i32 to vector<16xi32>
      %ge3A_128 = arith.cmpi sge, %get3A_125, %ge3A_127 : vector<16xi32>
      %lt3A_129 = arith.constant 5056 : i32
      %lt3A_130 = vector.broadcast %lt3A_129 : i32 to vector<16xi32>
      %lt3A_131 = arith.cmpi slt, %get3A_125, %lt3A_130 : vector<16xi32>
      %and3A_132 = arith.andi %ge3A_128, %lt3A_131 : vector<16xi1>
      %sub3A_133 = arith.constant 0 : i32
      %sub3A_134 = vector.broadcast %sub3A_133 : i32 to vector<16xi32>
      %sub3A_135 = arith.subi %get3A_125, %sub3A_134 : vector<16xi32>
      %jit3A_136 = arith.constant 5056 : i32
      %broadcast_in_dim3A_137 = vector.broadcast %jit3A_136 : i32 to vector<16xi32>
      %select_n3A_138 = arith.select %and3A_132, %sub3A_135, %broadcast_in_dim3A_137 : vector<16xi1>, vector<16xi32>
      %swap3A_139 = arith.constant 64 : index
      %swap3A_140 = tpu.vector_load %arg9[%swap3A_139] {strides = array<i32>} : memref<128xi32, #tpu.memory_space<vmem>>, vector<16xi32>,
      %swap3A_141 = vector.shape_cast %swap3A_140 : vector<16xi32> to vector<16xi32>
      %swap3A_142 = vector.shape_cast %select_n3A_138 : vector<16xi32> to vector<16xi32>
      tpu.vector_store %arg9[%swap3A_139], %swap3A_142 {strides = array<i32>} : memref<128xi32, #tpu.memory_space<vmem>>, vector<16xi32>,
      %get3A_143 = arith.constant 80 : index
      %get3A_144 = tpu.vector_load %arg8[%get3A_143] {strides = array<i32>} : memref<128xi32, #tpu.memory_space<vmem>>, vector<16xi32>,
      %get3A_145 = vector.shape_cast %get3A_144 : vector<16xi32> to vector<16xi32>
      %ge3A_146 = arith.constant 0 : i32
      %ge3A_147 = vector.broadcast %ge3A_146 : i32 to vector<16xi32>
      %ge3A_148 = arith.cmpi sge, %get3A_145, %ge3A_147 : vector<16xi32>
      %lt3A_149 = arith.constant 5056 : i32
      %lt3A_150 = vector.broadcast %lt3A_149 : i32 to vector<16xi32>
      %lt3A_151 = arith.cmpi slt, %get3A_145, %lt3A_150 : vector<16xi32>
      %and3A_152 = arith.andi %ge3A_148, %lt3A_151 : vector<16xi1>
      %sub3A_153 = arith.constant 0 : i32
      %sub3A_154 = vector.broadcast %sub3A_153 : i32 to vector<16xi32>
      %sub3A_155 = arith.subi %get3A_145, %sub3A_154 : vector<16xi32>
      %jit3A_156 = arith.constant 5056 : i32
      %broadcast_in_dim3A_157 = vector.broadcast %jit3A_156 : i32 to vector<16xi32>
      %select_n3A_158 = arith.select %and3A_152, %sub3A_155, %broadcast_in_dim3A_157 : vector<16xi1>, vector<16xi32>
      %swap3A_159 = arith.constant 80 : index
      %swap3A_160 = tpu.vector_load %arg9[%swap3A_159] {strides = array<i32>} : memref<128xi32, #tpu.memory_space<vmem>>, vector<16xi32>,
      %swap3A_161 = vector.shape_cast %swap3A_160 : vector<16xi32> to vector<16xi32>
      %swap3A_162 = vector.shape_cast %select_n3A_158 : vector<16xi32> to vector<16xi32>
      tpu.vector_store %arg9[%swap3A_159], %swap3A_162 {strides = array<i32>} : memref<128xi32, #tpu.memory_space<vmem>>, vector<16xi32>,
      %get3A_163 = arith.constant 96 : index
      %get3A_164 = tpu.vector_load %arg8[%get3A_163] {strides = array<i32>} : memref<128xi32, #tpu.memory_space<vmem>>, vector<16xi32>,
      %get3A_165 = vector.shape_cast %get3A_164 : vector<16xi32> to vector<16xi32>
      %ge3A_166 = arith.constant 0 : i32
      %ge3A_167 = vector.broadcast %ge3A_166 : i32 to vector<16xi32>
      %ge3A_168 = arith.cmpi sge, %get3A_165, %ge3A_167 : vector<16xi32>
      %lt3A_169 = arith.constant 5056 : i32
      %lt3A_170 = vector.broadcast %lt3A_169 : i32 to vector<16xi32>
      %lt3A_171 = arith.cmpi slt, %get3A_165, %lt3A_170 : vector<16xi32>
      %and3A_172 = arith.andi %ge3A_168, %lt3A_171 : vector<16xi1>
      %sub3A_173 = arith.constant 0 : i32
      %sub3A_174 = vector.broadcast %sub3A_173 : i32 to vector<16xi32>
      %sub3A_175 = arith.subi %get3A_165, %sub3A_174 : vector<16xi32>
      %jit3A_176 = arith.constant 5056 : i32
      %broadcast_in_dim3A_177 = vector.broadcast %jit3A_176 : i32 to vector<16xi32>
      %select_n3A_178 = arith.select %and3A_172, %sub3A_175, %broadcast_in_dim3A_177 : vector<16xi1>, vector<16xi32>
      %swap3A_179 = arith.constant 96 : index
      %swap3A_180 = tpu.vector_load %arg9[%swap3A_179] {strides = array<i32>} : memref<128xi32, #tpu.memory_space<vmem>>, vector<16xi32>,
      %swap3A_181 = vector.shape_cast %swap3A_180 : vector<16xi32> to vector<16xi32>
      %swap3A_182 = vector.shape_cast %select_n3A_178 : vector<16xi32> to vector<16xi32>
      tpu.vector_store %arg9[%swap3A_179], %swap3A_182 {strides = array<i32>} : memref<128xi32, #tpu.memory_space<vmem>>, vector<16xi32>,
      %get3A_183 = arith.constant 112 : index
      %get3A_184 = tpu.vector_load %arg8[%get3A_183] {strides = array<i32>} : memref<128xi32, #tpu.memory_space<vmem>>, vector<16xi32>,
      %get3A_185 = vector.shape_cast %get3A_184 : vector<16xi32> to vector<16xi32>
      %ge3A_186 = arith.constant 0 : i32
      %ge3A_187 = vector.broadcast %ge3A_186 : i32 to vector<16xi32>
      %ge3A_188 = arith.cmpi sge, %get3A_185, %ge3A_187 : vector<16xi32>
      %lt3A_189 = arith.constant 5056 : i32
      %lt3A_190 = vector.broadcast %lt3A_189 : i32 to vector<16xi32>
      %lt3A_191 = arith.cmpi slt, %get3A_185, %lt3A_190 : vector<16xi32>
      %and3A_192 = arith.andi %ge3A_188, %lt3A_191 : vector<16xi1>
      %sub3A_193 = arith.constant 0 : i32
      %sub3A_194 = vector.broadcast %sub3A_193 : i32 to vector<16xi32>
      %sub3A_195 = arith.subi %get3A_185, %sub3A_194 : vector<16xi32>
      %jit3A_196 = arith.constant 5056 : i32
      %broadcast_in_dim3A_197 = vector.broadcast %jit3A_196 : i32 to vector<16xi32>
      %select_n3A_198 = arith.select %and3A_192, %sub3A_195, %broadcast_in_dim3A_197 : vector<16xi1>, vector<16xi32>
      %swap3A_199 = arith.constant 112 : index
      %swap3A_200 = tpu.vector_load %arg9[%swap3A_199] {strides = array<i32>} : memref<128xi32, #tpu.memory_space<vmem>>, vector<16xi32>,
      %swap3A_201 = vector.shape_cast %swap3A_200 : vector<16xi32> to vector<16xi32>
      %swap3A_202 = vector.shape_cast %select_n3A_198 : vector<16xi32> to vector<16xi32>
      tpu.vector_store %arg9[%swap3A_199], %swap3A_202 {strides = array<i32>} : memref<128xi32, #tpu.memory_space<vmem>>, vector<16xi32>,
      %dma_start3A = arith.constant 0 : i32
      %dma_start3A_203 = arith.constant 0 : i32
      %dma_start3A_204 = tpu.memref_slice %arg4[%dma_start3A, %dma_start3A_203] : memref<10000x128xf32, #tpu.memory_space<hbm>> -> memref<10000x128xf32, #tpu.memory_space<hbm>>
      tpu.enqueue_indirect_dma source(%dma_start3A_204 : memref<10000x128xf32, #tpu.memory_space<hbm>>) target(%arg10 : memref<128x128xf32, #tpu.memory_space<vmem>>) offsets(%arg7 : memref<128xi32, #tpu.memory_space<vmem>>) semaphore(%arg13 : memref<!tpu.dma_semaphore, #tpu.memory_space<semaphore_mem>>)
      %dma_wait3A = arith.constant 0 : i32
      %dma_wait3A_205 = arith.constant 0 : i32
      %dma_wait3A_206 = tpu.memref_slice %arg4[%dma_wait3A, %dma_wait3A_205] : memref<10000x128xf32, #tpu.memory_space<hbm>> -> memref<10000x128xf32, #tpu.memory_space<hbm>>
      tpu.wait_indirect_dma semaphore(%arg13 : memref<!tpu.dma_semaphore, #tpu.memory_space<semaphore_mem>>) src(%dma_wait3A_206 : memref<10000x128xf32, #tpu.memory_space<hbm>>) dst(%arg10 : memref<128x128xf32, #tpu.memory_space<vmem>>)
      "tpu.region"() ({
        %run_scoped3A = tpu.sem_alloc : memref<!tpu.dma_semaphore, #tpu.memory_space<semaphore_mem>>
        %dma_start3A_207 = arith.constant 0 : i32
        %dma_start3A_208 = arith.constant 0 : i32
        %dma_start3A_209 = tpu.memref_slice %arg12[%dma_start3A_207, %dma_start3A_208] : memref<5120x128xf32, #tpu.memory_space<vmem_shared>> -> memref<5120x128xf32, #tpu.memory_space<vmem_shared>>
        tpu.enqueue_indirect_dma source(%arg10 : memref<128x128xf32, #tpu.memory_space<vmem>>) target(%dma_start3A_209 : memref<5120x128xf32, #tpu.memory_space<vmem_shared>>) offsets(%arg9 : memref<128xi32, #tpu.memory_space<vmem>>) semaphore(%run_scoped3A : memref<!tpu.dma_semaphore, #tpu.memory_space<semaphore_mem>>) {add = true}
        %dma_wait3A_210 = arith.constant 0 : i32
        %dma_wait3A_211 = arith.constant 0 : i32
        %dma_wait3A_212 = tpu.memref_slice %arg12[%dma_wait3A_210, %dma_wait3A_211] : memref<5120x128xf32, #tpu.memory_space<vmem_shared>> -> memref<5120x128xf32, #tpu.memory_space<vmem_shared>>
        tpu.wait_indirect_dma semaphore(%run_scoped3A : memref<!tpu.dma_semaphore, #tpu.memory_space<semaphore_mem>>) src(%arg10 : memref<128x128xf32, #tpu.memory_space<vmem>>) dst(%dma_wait3A_212 : memref<5120x128xf32, #tpu.memory_space<vmem_shared>>)
        tpu.yield
      }) : () -> ()
    }
    %scan3A_9 = arith.constant 157 : i32
    %barrier3A_10 = arith.constant 0 : index
    tpu.barrier barrier_id(%barrier3A_10)
    %mul3A_11 = arith.constant 320 : i32
    %mul3A_12 = arith.muli %arg1, %mul3A_11 : i32
    "tpu.region"() ({
      %run_scoped3A = tpu.sem_alloc : memref<!tpu.dma_semaphore, #tpu.memory_space<semaphore_mem>>
      %dma_start3A = arith.constant 0 : i32
      %dma_start3A_45 = tpu.memref_slice %arg12[%mul3A_12, %dma_start3A] : memref<5120x128xf32, #tpu.memory_space<vmem_shared>> -> memref<320x128xf32, #tpu.memory_space<vmem_shared>>
      %dma_start3A_46 = arith.constant 0 : i32
      %dma_start3A_47 = tpu.memref_slice %arg12[%mul3A_12, %dma_start3A_46] : memref<5120x128xf32, #tpu.memory_space<vmem_shared>> -> memref<320x128xf32, #tpu.memory_space<vmem_shared>>
      tpu.enqueue_dma source(%dma_start3A_47 : memref<320x128xf32, #tpu.memory_space<vmem_shared>>) target(%arg11 : memref<320x128xf32, #tpu.memory_space<vmem>>) target_semaphore(%run_scoped3A : memref<!tpu.dma_semaphore, #tpu.memory_space<semaphore_mem>>)
      %dma_wait3A = arith.constant 0 : i32
      %dma_wait3A_48 = tpu.memref_slice %arg12[%mul3A_12, %dma_wait3A] : memref<5120x128xf32, #tpu.memory_space<vmem_shared>> -> memref<320x128xf32, #tpu.memory_space<vmem_shared>>
      %dma_wait3A_49 = arith.constant 0 : i32
      %dma_wait3A_50 = tpu.memref_slice %arg12[%mul3A_12, %dma_wait3A_49] : memref<5120x128xf32, #tpu.memory_space<vmem_shared>> -> memref<320x128xf32, #tpu.memory_space<vmem_shared>>
      tpu.wait_dma2 semaphore(%run_scoped3A : memref<!tpu.dma_semaphore, #tpu.memory_space<semaphore_mem>>) src(%dma_wait3A_50 : memref<320x128xf32, #tpu.memory_space<vmem_shared>>) dst(%arg11 : memref<320x128xf32, #tpu.memory_space<vmem>>)
      tpu.yield
    }) : () -> ()
    %mul3A_13 = arith.constant 2 : i32
    %mul3A_14 = arith.muli %arg0, %mul3A_13 : i32
    %add3A_15 = arith.constant 0 : i32
    %add3A_16 = arith.addi %mul3A_14, %add3A_15 : i32
    %mul3A_17 = arith.constant 5120 : i32
    %mul3A_18 = arith.muli %add3A_16, %mul3A_17 : i32
    %mul3A_19 = arith.constant 320 : i32
    %mul3A_20 = arith.muli %arg1, %mul3A_19 : i32
    %add3A_21 = arith.addi %mul3A_18, %mul3A_20 : i32
    "tpu.region"() ({
      %run_scoped3A = tpu.sem_alloc : memref<!tpu.dma_semaphore, #tpu.memory_space<semaphore_mem>>
      %dma_start3A = arith.constant 0 : i32
      %dma_start3A_45 = tpu.memref_slice %arg6[%add3A_21, %dma_start3A] : memref<20480x128xf32, #tpu.memory_space<hbm>> -> memref<320x128xf32, #tpu.memory_space<hbm>>
      %dma_start3A_46 = arith.constant 0 : i32
      %dma_start3A_47 = tpu.memref_slice %arg6[%add3A_21, %dma_start3A_46] : memref<20480x128xf32, #tpu.memory_space<hbm>> -> memref<320x128xf32, #tpu.memory_space<hbm>>
      tpu.enqueue_dma source(%arg11 : memref<320x128xf32, #tpu.memory_space<vmem>>) target(%dma_start3A_47 : memref<320x128xf32, #tpu.memory_space<hbm>>) target_semaphore(%run_scoped3A : memref<!tpu.dma_semaphore, #tpu.memory_space<semaphore_mem>>)
      %dma_wait3A = arith.constant 0 : i32
      %dma_wait3A_48 = tpu.memref_slice %arg6[%add3A_21, %dma_wait3A] : memref<20480x128xf32, #tpu.memory_space<hbm>> -> memref<320x128xf32, #tpu.memory_space<hbm>>
      %dma_wait3A_49 = arith.constant 0 : i32
      %dma_wait3A_50 = tpu.memref_slice %arg6[%add3A_21, %dma_wait3A_49] : memref<20480x128xf32, #tpu.memory_space<hbm>> -> memref<320x128xf32, #tpu.memory_space<hbm>>
      tpu.wait_dma2 semaphore(%run_scoped3A : memref<!tpu.dma_semaphore, #tpu.memory_space<semaphore_mem>>) src(%arg11 : memref<320x128xf32, #tpu.memory_space<vmem>>) dst(%dma_wait3A_50 : memref<320x128xf32, #tpu.memory_space<hbm>>)
      tpu.yield
    }) : () -> ()
    %barrier3A_22 = arith.constant 0 : index
    tpu.barrier barrier_id(%barrier3A_22)
    "tpu.region"() ({
      %run_scoped3A = tpu.sem_alloc : memref<!tpu.dma_semaphore, #tpu.memory_space<semaphore_mem>>
      tpu.enqueue_dma source(%arg5 : memref<320x128xf32, #tpu.memory_space<hbm>>) target(%arg11 : memref<320x128xf32, #tpu.memory_space<vmem>>) target_semaphore(%run_scoped3A : memref<!tpu.dma_semaphore, #tpu.memory_space<semaphore_mem>>)
      tpu.wait_dma2 semaphore(%run_scoped3A : memref<!tpu.dma_semaphore, #tpu.memory_space<semaphore_mem>>) src(%arg5 : memref<320x128xf32, #tpu.memory_space<hbm>>) dst(%arg11 : memref<320x128xf32, #tpu.memory_space<vmem>>)
      tpu.yield
    }) : () -> ()
    %mul3A_23 = arith.constant 320 : i32
    %mul3A_24 = arith.muli %arg1, %mul3A_23 : i32
    "tpu.region"() ({
      %run_scoped3A = tpu.sem_alloc : memref<!tpu.dma_semaphore, #tpu.memory_space<semaphore_mem>>
      %dma_start3A = arith.constant 0 : i32
      %dma_start3A_45 = tpu.memref_slice %arg12[%mul3A_24, %dma_start3A] : memref<5120x128xf32, #tpu.memory_space<vmem_shared>> -> memref<320x128xf32, #tpu.memory_space<vmem_shared>>
      %dma_start3A_46 = arith.constant 0 : i32
      %dma_start3A_47 = tpu.memref_slice %arg12[%mul3A_24, %dma_start3A_46] : memref<5120x128xf32, #tpu.memory_space<vmem_shared>> -> memref<320x128xf32, #tpu.memory_space<vmem_shared>>
      tpu.enqueue_dma source(%arg11 : memref<320x128xf32, #tpu.memory_space<vmem>>) target(%dma_start3A_47 : memref<320x128xf32, #tpu.memory_space<vmem_shared>>) target_semaphore(%run_scoped3A : memref<!tpu.dma_semaphore, #tpu.memory_space<semaphore_mem>>)
      %dma_wait3A = arith.constant 0 : i32
      %dma_wait3A_48 = tpu.memref_slice %arg12[%mul3A_24, %dma_wait3A] : memref<5120x128xf32, #tpu.memory_space<vmem_shared>> -> memref<320x128xf32, #tpu.memory_space<vmem_shared>>
      %dma_wait3A_49 = arith.constant 0 : i32
      %dma_wait3A_50 = tpu.memref_slice %arg12[%mul3A_24, %dma_wait3A_49] : memref<5120x128xf32, #tpu.memory_space<vmem_shared>> -> memref<320x128xf32, #tpu.memory_space<vmem_shared>>
      tpu.wait_dma2 semaphore(%run_scoped3A : memref<!tpu.dma_semaphore, #tpu.memory_space<semaphore_mem>>) src(%arg11 : memref<320x128xf32, #tpu.memory_space<vmem>>) dst(%dma_wait3A_50 : memref<320x128xf32, #tpu.memory_space<vmem_shared>>)
      tpu.yield
    }) : () -> ()
    %barrier3A_25 = arith.constant 0 : index
    tpu.barrier barrier_id(%barrier3A_25)
    %scan3A_26 = arith.constant 0 : i32
    %scan3A_27 = arith.constant 0 : i32
    %scan3A_28 = arith.constant 157 : i32
    %scan3A_29 = arith.addi %scan3A_27, %scan3A_28 : i32
    %scan3A_30 = arith.constant 1 : i32
    scf.for %scan3A_45 = %scan3A_27 to %scan3A_29 step %scan3A_30  : i32 {
      %mul3A_46 = arith.constant 128 : i32
      %mul3A_47 = arith.muli %scan3A_45, %mul3A_46 : i32
      %add3A_48 = arith.addi %add3A, %mul3A_47 : i32
      "tpu.region"() ({
        %run_scoped3A = tpu.sem_alloc : memref<!tpu.dma_semaphore, #tpu.memory_space<semaphore_mem>>
        %dma_start3A_207 = tpu.memref_slice %arg2[%add3A_48] : memref<643072xi32, #tpu.memory_space<hbm>> -> memref<128xi32, #tpu.memory_space<hbm>>
        %dma_start3A_208 = tpu.memref_slice %arg2[%add3A_48] : memref<643072xi32, #tpu.memory_space<hbm>> -> memref<128xi32, #tpu.memory_space<hbm>>
        tpu.enqueue_dma source(%dma_start3A_208 : memref<128xi32, #tpu.memory_space<hbm>>) target(%arg7 : memref<128xi32, #tpu.memory_space<vmem>>) target_semaphore(%run_scoped3A : memref<!tpu.dma_semaphore, #tpu.memory_space<semaphore_mem>>)
        %dma_wait3A_209 = tpu.memref_slice %arg2[%add3A_48] : memref<643072xi32, #tpu.memory_space<hbm>> -> memref<128xi32, #tpu.memory_space<hbm>>
        %dma_wait3A_210 = tpu.memref_slice %arg2[%add3A_48] : memref<643072xi32, #tpu.memory_space<hbm>> -> memref<128xi32, #tpu.memory_space<hbm>>
        tpu.wait_dma2 semaphore(%run_scoped3A : memref<!tpu.dma_semaphore, #tpu.memory_space<semaphore_mem>>) src(%dma_wait3A_210 : memref<128xi32, #tpu.memory_space<hbm>>) dst(%arg7 : memref<128xi32, #tpu.memory_space<vmem>>)
        tpu.yield
      }) : () -> ()
      %mul3A_49 = arith.constant 128 : i32
      %mul3A_50 = arith.muli %scan3A_45, %mul3A_49 : i32
      %add3A_51 = arith.addi %add3A, %mul3A_50 : i32
      "tpu.region"() ({
        %run_scoped3A = tpu.sem_alloc : memref<!tpu.dma_semaphore, #tpu.memory_space<semaphore_mem>>
        %dma_start3A_207 = tpu.memref_slice %arg3[%add3A_51] : memref<643072xi32, #tpu.memory_space<hbm>> -> memref<128xi32, #tpu.memory_space<hbm>>
        %dma_start3A_208 = tpu.memref_slice %arg3[%add3A_51] : memref<643072xi32, #tpu.memory_space<hbm>> -> memref<128xi32, #tpu.memory_space<hbm>>
        tpu.enqueue_dma source(%dma_start3A_208 : memref<128xi32, #tpu.memory_space<hbm>>) target(%arg8 : memref<128xi32, #tpu.memory_space<vmem>>) target_semaphore(%run_scoped3A : memref<!tpu.dma_semaphore, #tpu.memory_space<semaphore_mem>>)
        %dma_wait3A_209 = tpu.memref_slice %arg3[%add3A_51] : memref<643072xi32, #tpu.memory_space<hbm>> -> memref<128xi32, #tpu.memory_space<hbm>>
        %dma_wait3A_210 = tpu.memref_slice %arg3[%add3A_51] : memref<643072xi32, #tpu.memory_space<hbm>> -> memref<128xi32, #tpu.memory_space<hbm>>
        tpu.wait_dma2 semaphore(%run_scoped3A : memref<!tpu.dma_semaphore, #tpu.memory_space<semaphore_mem>>) src(%dma_wait3A_210 : memref<128xi32, #tpu.memory_space<hbm>>) dst(%arg8 : memref<128xi32, #tpu.memory_space<vmem>>)
        tpu.yield
      }) : () -> ()
      %get3A = arith.constant 0 : index
      %get3A_52 = tpu.vector_load %arg8[%get3A] {strides = array<i32>} : memref<128xi32, #tpu.memory_space<vmem>>, vector<16xi32>,
      %get3A_53 = vector.shape_cast %get3A_52 : vector<16xi32> to vector<16xi32>
      %ge3A = arith.constant 5056 : i32
      %ge3A_54 = vector.broadcast %ge3A : i32 to vector<16xi32>
      %ge3A_55 = arith.cmpi sge, %get3A_53, %ge3A_54 : vector<16xi32>
      %lt3A = arith.constant 10112 : i32
      %lt3A_56 = vector.broadcast %lt3A : i32 to vector<16xi32>
      %lt3A_57 = arith.cmpi slt, %get3A_53, %lt3A_56 : vector<16xi32>
      %and3A = arith.andi %ge3A_55, %lt3A_57 : vector<16xi1>
      %sub3A = arith.constant 5056 : i32
      %sub3A_58 = vector.broadcast %sub3A : i32 to vector<16xi32>
      %sub3A_59 = arith.subi %get3A_53, %sub3A_58 : vector<16xi32>
      %jit3A = arith.constant 5056 : i32
      %broadcast_in_dim3A = vector.broadcast %jit3A : i32 to vector<16xi32>
      %select_n3A = arith.select %and3A, %sub3A_59, %broadcast_in_dim3A : vector<16xi1>, vector<16xi32>
      %swap3A = arith.constant 0 : index
      %swap3A_60 = tpu.vector_load %arg9[%swap3A] {strides = array<i32>} : memref<128xi32, #tpu.memory_space<vmem>>, vector<16xi32>,
      %swap3A_61 = vector.shape_cast %swap3A_60 : vector<16xi32> to vector<16xi32>
      %swap3A_62 = vector.shape_cast %select_n3A : vector<16xi32> to vector<16xi32>
      tpu.vector_store %arg9[%swap3A], %swap3A_62 {strides = array<i32>} : memref<128xi32, #tpu.memory_space<vmem>>, vector<16xi32>,
      %get3A_63 = arith.constant 16 : index
      %get3A_64 = tpu.vector_load %arg8[%get3A_63] {strides = array<i32>} : memref<128xi32, #tpu.memory_space<vmem>>, vector<16xi32>,
      %get3A_65 = vector.shape_cast %get3A_64 : vector<16xi32> to vector<16xi32>
      %ge3A_66 = arith.constant 5056 : i32
      %ge3A_67 = vector.broadcast %ge3A_66 : i32 to vector<16xi32>
      %ge3A_68 = arith.cmpi sge, %get3A_65, %ge3A_67 : vector<16xi32>
      %lt3A_69 = arith.constant 10112 : i32
      %lt3A_70 = vector.broadcast %lt3A_69 : i32 to vector<16xi32>
      %lt3A_71 = arith.cmpi slt, %get3A_65, %lt3A_70 : vector<16xi32>
      %and3A_72 = arith.andi %ge3A_68, %lt3A_71 : vector<16xi1>
      %sub3A_73 = arith.constant 5056 : i32
      %sub3A_74 = vector.broadcast %sub3A_73 : i32 to vector<16xi32>
      %sub3A_75 = arith.subi %get3A_65, %sub3A_74 : vector<16xi32>
      %jit3A_76 = arith.constant 5056 : i32
      %broadcast_in_dim3A_77 = vector.broadcast %jit3A_76 : i32 to vector<16xi32>
      %select_n3A_78 = arith.select %and3A_72, %sub3A_75, %broadcast_in_dim3A_77 : vector<16xi1>, vector<16xi32>
      %swap3A_79 = arith.constant 16 : index
      %swap3A_80 = tpu.vector_load %arg9[%swap3A_79] {strides = array<i32>} : memref<128xi32, #tpu.memory_space<vmem>>, vector<16xi32>,
      %swap3A_81 = vector.shape_cast %swap3A_80 : vector<16xi32> to vector<16xi32>
      %swap3A_82 = vector.shape_cast %select_n3A_78 : vector<16xi32> to vector<16xi32>
      tpu.vector_store %arg9[%swap3A_79], %swap3A_82 {strides = array<i32>} : memref<128xi32, #tpu.memory_space<vmem>>, vector<16xi32>,
      %get3A_83 = arith.constant 32 : index
      %get3A_84 = tpu.vector_load %arg8[%get3A_83] {strides = array<i32>} : memref<128xi32, #tpu.memory_space<vmem>>, vector<16xi32>,
      %get3A_85 = vector.shape_cast %get3A_84 : vector<16xi32> to vector<16xi32>
      %ge3A_86 = arith.constant 5056 : i32
      %ge3A_87 = vector.broadcast %ge3A_86 : i32 to vector<16xi32>
      %ge3A_88 = arith.cmpi sge, %get3A_85, %ge3A_87 : vector<16xi32>
      %lt3A_89 = arith.constant 10112 : i32
      %lt3A_90 = vector.broadcast %lt3A_89 : i32 to vector<16xi32>
      %lt3A_91 = arith.cmpi slt, %get3A_85, %lt3A_90 : vector<16xi32>
      %and3A_92 = arith.andi %ge3A_88, %lt3A_91 : vector<16xi1>
      %sub3A_93 = arith.constant 5056 : i32
      %sub3A_94 = vector.broadcast %sub3A_93 : i32 to vector<16xi32>
      %sub3A_95 = arith.subi %get3A_85, %sub3A_94 : vector<16xi32>
      %jit3A_96 = arith.constant 5056 : i32
      %broadcast_in_dim3A_97 = vector.broadcast %jit3A_96 : i32 to vector<16xi32>
      %select_n3A_98 = arith.select %and3A_92, %sub3A_95, %broadcast_in_dim3A_97 : vector<16xi1>, vector<16xi32>
      %swap3A_99 = arith.constant 32 : index
      %swap3A_100 = tpu.vector_load %arg9[%swap3A_99] {strides = array<i32>} : memref<128xi32, #tpu.memory_space<vmem>>, vector<16xi32>,
      %swap3A_101 = vector.shape_cast %swap3A_100 : vector<16xi32> to vector<16xi32>
      %swap3A_102 = vector.shape_cast %select_n3A_98 : vector<16xi32> to vector<16xi32>
      tpu.vector_store %arg9[%swap3A_99], %swap3A_102 {strides = array<i32>} : memref<128xi32, #tpu.memory_space<vmem>>, vector<16xi32>,
      %get3A_103 = arith.constant 48 : index
      %get3A_104 = tpu.vector_load %arg8[%get3A_103] {strides = array<i32>} : memref<128xi32, #tpu.memory_space<vmem>>, vector<16xi32>,
      %get3A_105 = vector.shape_cast %get3A_104 : vector<16xi32> to vector<16xi32>
      %ge3A_106 = arith.constant 5056 : i32
      %ge3A_107 = vector.broadcast %ge3A_106 : i32 to vector<16xi32>
      %ge3A_108 = arith.cmpi sge, %get3A_105, %ge3A_107 : vector<16xi32>
      %lt3A_109 = arith.constant 10112 : i32
      %lt3A_110 = vector.broadcast %lt3A_109 : i32 to vector<16xi32>
      %lt3A_111 = arith.cmpi slt, %get3A_105, %lt3A_110 : vector<16xi32>
      %and3A_112 = arith.andi %ge3A_108, %lt3A_111 : vector<16xi1>
      %sub3A_113 = arith.constant 5056 : i32
      %sub3A_114 = vector.broadcast %sub3A_113 : i32 to vector<16xi32>
      %sub3A_115 = arith.subi %get3A_105, %sub3A_114 : vector<16xi32>
      %jit3A_116 = arith.constant 5056 : i32
      %broadcast_in_dim3A_117 = vector.broadcast %jit3A_116 : i32 to vector<16xi32>
      %select_n3A_118 = arith.select %and3A_112, %sub3A_115, %broadcast_in_dim3A_117 : vector<16xi1>, vector<16xi32>
      %swap3A_119 = arith.constant 48 : index
      %swap3A_120 = tpu.vector_load %arg9[%swap3A_119] {strides = array<i32>} : memref<128xi32, #tpu.memory_space<vmem>>, vector<16xi32>,
      %swap3A_121 = vector.shape_cast %swap3A_120 : vector<16xi32> to vector<16xi32>
      %swap3A_122 = vector.shape_cast %select_n3A_118 : vector<16xi32> to vector<16xi32>
      tpu.vector_store %arg9[%swap3A_119], %swap3A_122 {strides = array<i32>} : memref<128xi32, #tpu.memory_space<vmem>>, vector<16xi32>,
      %get3A_123 = arith.constant 64 : index
      %get3A_124 = tpu.vector_load %arg8[%get3A_123] {strides = array<i32>} : memref<128xi32, #tpu.memory_space<vmem>>, vector<16xi32>,
      %get3A_125 = vector.shape_cast %get3A_124 : vector<16xi32> to vector<16xi32>
      %ge3A_126 = arith.constant 5056 : i32
      %ge3A_127 = vector.broadcast %ge3A_126 : i32 to vector<16xi32>
      %ge3A_128 = arith.cmpi sge, %get3A_125, %ge3A_127 : vector<16xi32>
      %lt3A_129 = arith.constant 10112 : i32
      %lt3A_130 = vector.broadcast %lt3A_129 : i32 to vector<16xi32>
      %lt3A_131 = arith.cmpi slt, %get3A_125, %lt3A_130 : vector<16xi32>
      %and3A_132 = arith.andi %ge3A_128, %lt3A_131 : vector<16xi1>
      %sub3A_133 = arith.constant 5056 : i32
      %sub3A_134 = vector.broadcast %sub3A_133 : i32 to vector<16xi32>
      %sub3A_135 = arith.subi %get3A_125, %sub3A_134 : vector<16xi32>
      %jit3A_136 = arith.constant 5056 : i32
      %broadcast_in_dim3A_137 = vector.broadcast %jit3A_136 : i32 to vector<16xi32>
      %select_n3A_138 = arith.select %and3A_132, %sub3A_135, %broadcast_in_dim3A_137 : vector<16xi1>, vector<16xi32>
      %swap3A_139 = arith.constant 64 : index
      %swap3A_140 = tpu.vector_load %arg9[%swap3A_139] {strides = array<i32>} : memref<128xi32, #tpu.memory_space<vmem>>, vector<16xi32>,
      %swap3A_141 = vector.shape_cast %swap3A_140 : vector<16xi32> to vector<16xi32>
      %swap3A_142 = vector.shape_cast %select_n3A_138 : vector<16xi32> to vector<16xi32>
      tpu.vector_store %arg9[%swap3A_139], %swap3A_142 {strides = array<i32>} : memref<128xi32, #tpu.memory_space<vmem>>, vector<16xi32>,
      %get3A_143 = arith.constant 80 : index
      %get3A_144 = tpu.vector_load %arg8[%get3A_143] {strides = array<i32>} : memref<128xi32, #tpu.memory_space<vmem>>, vector<16xi32>,
      %get3A_145 = vector.shape_cast %get3A_144 : vector<16xi32> to vector<16xi32>
      %ge3A_146 = arith.constant 5056 : i32
      %ge3A_147 = vector.broadcast %ge3A_146 : i32 to vector<16xi32>
      %ge3A_148 = arith.cmpi sge, %get3A_145, %ge3A_147 : vector<16xi32>
      %lt3A_149 = arith.constant 10112 : i32
      %lt3A_150 = vector.broadcast %lt3A_149 : i32 to vector<16xi32>
      %lt3A_151 = arith.cmpi slt, %get3A_145, %lt3A_150 : vector<16xi32>
      %and3A_152 = arith.andi %ge3A_148, %lt3A_151 : vector<16xi1>
      %sub3A_153 = arith.constant 5056 : i32
      %sub3A_154 = vector.broadcast %sub3A_153 : i32 to vector<16xi32>
      %sub3A_155 = arith.subi %get3A_145, %sub3A_154 : vector<16xi32>
      %jit3A_156 = arith.constant 5056 : i32
      %broadcast_in_dim3A_157 = vector.broadcast %jit3A_156 : i32 to vector<16xi32>
      %select_n3A_158 = arith.select %and3A_152, %sub3A_155, %broadcast_in_dim3A_157 : vector<16xi1>, vector<16xi32>
      %swap3A_159 = arith.constant 80 : index
      %swap3A_160 = tpu.vector_load %arg9[%swap3A_159] {strides = array<i32>} : memref<128xi32, #tpu.memory_space<vmem>>, vector<16xi32>,
      %swap3A_161 = vector.shape_cast %swap3A_160 : vector<16xi32> to vector<16xi32>
      %swap3A_162 = vector.shape_cast %select_n3A_158 : vector<16xi32> to vector<16xi32>
      tpu.vector_store %arg9[%swap3A_159], %swap3A_162 {strides = array<i32>} : memref<128xi32, #tpu.memory_space<vmem>>, vector<16xi32>,
      %get3A_163 = arith.constant 96 : index
      %get3A_164 = tpu.vector_load %arg8[%get3A_163] {strides = array<i32>} : memref<128xi32, #tpu.memory_space<vmem>>, vector<16xi32>,
      %get3A_165 = vector.shape_cast %get3A_164 : vector<16xi32> to vector<16xi32>
      %ge3A_166 = arith.constant 5056 : i32
      %ge3A_167 = vector.broadcast %ge3A_166 : i32 to vector<16xi32>
      %ge3A_168 = arith.cmpi sge, %get3A_165, %ge3A_167 : vector<16xi32>
      %lt3A_169 = arith.constant 10112 : i32
      %lt3A_170 = vector.broadcast %lt3A_169 : i32 to vector<16xi32>
      %lt3A_171 = arith.cmpi slt, %get3A_165, %lt3A_170 : vector<16xi32>
      %and3A_172 = arith.andi %ge3A_168, %lt3A_171 : vector<16xi1>
      %sub3A_173 = arith.constant 5056 : i32
      %sub3A_174 = vector.broadcast %sub3A_173 : i32 to vector<16xi32>
      %sub3A_175 = arith.subi %get3A_165, %sub3A_174 : vector<16xi32>
      %jit3A_176 = arith.constant 5056 : i32
      %broadcast_in_dim3A_177 = vector.broadcast %jit3A_176 : i32 to vector<16xi32>
      %select_n3A_178 = arith.select %and3A_172, %sub3A_175, %broadcast_in_dim3A_177 : vector<16xi1>, vector<16xi32>
      %swap3A_179 = arith.constant 96 : index
      %swap3A_180 = tpu.vector_load %arg9[%swap3A_179] {strides = array<i32>} : memref<128xi32, #tpu.memory_space<vmem>>, vector<16xi32>,
      %swap3A_181 = vector.shape_cast %swap3A_180 : vector<16xi32> to vector<16xi32>
      %swap3A_182 = vector.shape_cast %select_n3A_178 : vector<16xi32> to vector<16xi32>
      tpu.vector_store %arg9[%swap3A_179], %swap3A_182 {strides = array<i32>} : memref<128xi32, #tpu.memory_space<vmem>>, vector<16xi32>,
      %get3A_183 = arith.constant 112 : index
      %get3A_184 = tpu.vector_load %arg8[%get3A_183] {strides = array<i32>} : memref<128xi32, #tpu.memory_space<vmem>>, vector<16xi32>,
      %get3A_185 = vector.shape_cast %get3A_184 : vector<16xi32> to vector<16xi32>
      %ge3A_186 = arith.constant 5056 : i32
      %ge3A_187 = vector.broadcast %ge3A_186 : i32 to vector<16xi32>
      %ge3A_188 = arith.cmpi sge, %get3A_185, %ge3A_187 : vector<16xi32>
      %lt3A_189 = arith.constant 10112 : i32
      %lt3A_190 = vector.broadcast %lt3A_189 : i32 to vector<16xi32>
      %lt3A_191 = arith.cmpi slt, %get3A_185, %lt3A_190 : vector<16xi32>
      %and3A_192 = arith.andi %ge3A_188, %lt3A_191 : vector<16xi1>
      %sub3A_193 = arith.constant 5056 : i32
      %sub3A_194 = vector.broadcast %sub3A_193 : i32 to vector<16xi32>
      %sub3A_195 = arith.subi %get3A_185, %sub3A_194 : vector<16xi32>
      %jit3A_196 = arith.constant 5056 : i32
      %broadcast_in_dim3A_197 = vector.broadcast %jit3A_196 : i32 to vector<16xi32>
      %select_n3A_198 = arith.select %and3A_192, %sub3A_195, %broadcast_in_dim3A_197 : vector<16xi1>, vector<16xi32>
      %swap3A_199 = arith.constant 112 : index
      %swap3A_200 = tpu.vector_load %arg9[%swap3A_199] {strides = array<i32>} : memref<128xi32, #tpu.memory_space<vmem>>, vector<16xi32>,
      %swap3A_201 = vector.shape_cast %swap3A_200 : vector<16xi32> to vector<16xi32>
      %swap3A_202 = vector.shape_cast %select_n3A_198 : vector<16xi32> to vector<16xi32>
      tpu.vector_store %arg9[%swap3A_199], %swap3A_202 {strides = array<i32>} : memref<128xi32, #tpu.memory_space<vmem>>, vector<16xi32>,
      %dma_start3A = arith.constant 0 : i32
      %dma_start3A_203 = arith.constant 0 : i32
      %dma_start3A_204 = tpu.memref_slice %arg4[%dma_start3A, %dma_start3A_203] : memref<10000x128xf32, #tpu.memory_space<hbm>> -> memref<10000x128xf32, #tpu.memory_space<hbm>>
      tpu.enqueue_indirect_dma source(%dma_start3A_204 : memref<10000x128xf32, #tpu.memory_space<hbm>>) target(%arg10 : memref<128x128xf32, #tpu.memory_space<vmem>>) offsets(%arg7 : memref<128xi32, #tpu.memory_space<vmem>>) semaphore(%arg13 : memref<!tpu.dma_semaphore, #tpu.memory_space<semaphore_mem>>)
      %dma_wait3A = arith.constant 0 : i32
      %dma_wait3A_205 = arith.constant 0 : i32
      %dma_wait3A_206 = tpu.memref_slice %arg4[%dma_wait3A, %dma_wait3A_205] : memref<10000x128xf32, #tpu.memory_space<hbm>> -> memref<10000x128xf32, #tpu.memory_space<hbm>>
      tpu.wait_indirect_dma semaphore(%arg13 : memref<!tpu.dma_semaphore, #tpu.memory_space<semaphore_mem>>) src(%dma_wait3A_206 : memref<10000x128xf32, #tpu.memory_space<hbm>>) dst(%arg10 : memref<128x128xf32, #tpu.memory_space<vmem>>)
      "tpu.region"() ({
        %run_scoped3A = tpu.sem_alloc : memref<!tpu.dma_semaphore, #tpu.memory_space<semaphore_mem>>
        %dma_start3A_207 = arith.constant 0 : i32
        %dma_start3A_208 = arith.constant 0 : i32
        %dma_start3A_209 = tpu.memref_slice %arg12[%dma_start3A_207, %dma_start3A_208] : memref<5120x128xf32, #tpu.memory_space<vmem_shared>> -> memref<5120x128xf32, #tpu.memory_space<vmem_shared>>
        tpu.enqueue_indirect_dma source(%arg10 : memref<128x128xf32, #tpu.memory_space<vmem>>) target(%dma_start3A_209 : memref<5120x128xf32, #tpu.memory_space<vmem_shared>>) offsets(%arg9 : memref<128xi32, #tpu.memory_space<vmem>>) semaphore(%run_scoped3A : memref<!tpu.dma_semaphore, #tpu.memory_space<semaphore_mem>>) {add = true}
        %dma_wait3A_210 = arith.constant 0 : i32
        %dma_wait3A_211 = arith.constant 0 : i32
        %dma_wait3A_212 = tpu.memref_slice %arg12[%dma_wait3A_210, %dma_wait3A_211] : memref<5120x128xf32, #tpu.memory_space<vmem_shared>> -> memref<5120x128xf32, #tpu.memory_space<vmem_shared>>
        tpu.wait_indirect_dma semaphore(%run_scoped3A : memref<!tpu.dma_semaphore, #tpu.memory_space<semaphore_mem>>) src(%arg10 : memref<128x128xf32, #tpu.memory_space<vmem>>) dst(%dma_wait3A_212 : memref<5120x128xf32, #tpu.memory_space<vmem_shared>>)
        tpu.yield
      }) : () -> ()
    }
    %scan3A_31 = arith.constant 157 : i32
    %barrier3A_32 = arith.constant 0 : index
    tpu.barrier barrier_id(%barrier3A_32)
    %mul3A_33 = arith.constant 320 : i32
    %mul3A_34 = arith.muli %arg1, %mul3A_33 : i32
    "tpu.region"() ({
      %run_scoped3A = tpu.sem_alloc : memref<!tpu.dma_semaphore, #tpu.memory_space<semaphore_mem>>
      %dma_start3A = arith.constant 0 : i32
      %dma_start3A_45 = tpu.memref_slice %arg12[%mul3A_34, %dma_start3A] : memref<5120x128xf32, #tpu.memory_space<vmem_shared>> -> memref<320x128xf32, #tpu.memory_space<vmem_shared>>
      %dma_start3A_46 = arith.constant 0 : i32
      %dma_start3A_47 = tpu.memref_slice %arg12[%mul3A_34, %dma_start3A_46] : memref<5120x128xf32, #tpu.memory_space<vmem_shared>> -> memref<320x128xf32, #tpu.memory_space<vmem_shared>>
      tpu.enqueue_dma source(%dma_start3A_47 : memref<320x128xf32, #tpu.memory_space<vmem_shared>>) target(%arg11 : memref<320x128xf32, #tpu.memory_space<vmem>>) target_semaphore(%run_scoped3A : memref<!tpu.dma_semaphore, #tpu.memory_space<semaphore_mem>>)
      %dma_wait3A = arith.constant 0 : i32
      %dma_wait3A_48 = tpu.memref_slice %arg12[%mul3A_34, %dma_wait3A] : memref<5120x128xf32, #tpu.memory_space<vmem_shared>> -> memref<320x128xf32, #tpu.memory_space<vmem_shared>>
      %dma_wait3A_49 = arith.constant 0 : i32
      %dma_wait3A_50 = tpu.memref_slice %arg12[%mul3A_34, %dma_wait3A_49] : memref<5120x128xf32, #tpu.memory_space<vmem_shared>> -> memref<320x128xf32, #tpu.memory_space<vmem_shared>>
      tpu.wait_dma2 semaphore(%run_scoped3A : memref<!tpu.dma_semaphore, #tpu.memory_space<semaphore_mem>>) src(%dma_wait3A_50 : memref<320x128xf32, #tpu.memory_space<vmem_shared>>) dst(%arg11 : memref<320x128xf32, #tpu.memory_space<vmem>>)
      tpu.yield
    }) : () -> ()
    %mul3A_35 = arith.constant 2 : i32
    %mul3A_36 = arith.muli %arg0, %mul3A_35 : i32
    %add3A_37 = arith.constant 1 : i32
    %add3A_38 = arith.addi %mul3A_36, %add3A_37 : i32
    %mul3A_39 = arith.constant 5120 : i32
    %mul3A_40 = arith.muli %add3A_38, %mul3A_39 : i32
    %mul3A_41 = arith.constant 320 : i32
    %mul3A_42 = arith.muli %arg1, %mul3A_41 : i32
    %add3A_43 = arith.addi %mul3A_40, %mul3A_42 : i32
    "tpu.region"() ({
      %run_scoped3A = tpu.sem_alloc : memref<!tpu.dma_semaphore, #tpu.memory_space<semaphore_mem>>
      %dma_start3A = arith.constant 0 : i32
      %dma_start3A_45 = tpu.memref_slice %arg6[%add3A_43, %dma_start3A] : memref<20480x128xf32, #tpu.memory_space<hbm>> -> memref<320x128xf32, #tpu.memory_space<hbm>>
      %dma_start3A_46 = arith.constant 0 : i32
      %dma_start3A_47 = tpu.memref_slice %arg6[%add3A_43, %dma_start3A_46] : memref<20480x128xf32, #tpu.memory_space<hbm>> -> memref<320x128xf32, #tpu.memory_space<hbm>>
      tpu.enqueue_dma source(%arg11 : memref<320x128xf32, #tpu.memory_space<vmem>>) target(%dma_start3A_47 : memref<320x128xf32, #tpu.memory_space<hbm>>) target_semaphore(%run_scoped3A : memref<!tpu.dma_semaphore, #tpu.memory_space<semaphore_mem>>)
      %dma_wait3A = arith.constant 0 : i32
      %dma_wait3A_48 = tpu.memref_slice %arg6[%add3A_43, %dma_wait3A] : memref<20480x128xf32, #tpu.memory_space<hbm>> -> memref<320x128xf32, #tpu.memory_space<hbm>>
      %dma_wait3A_49 = arith.constant 0 : i32
      %dma_wait3A_50 = tpu.memref_slice %arg6[%add3A_43, %dma_wait3A_49] : memref<20480x128xf32, #tpu.memory_space<hbm>> -> memref<320x128xf32, #tpu.memory_space<hbm>>
      tpu.wait_dma2 semaphore(%run_scoped3A : memref<!tpu.dma_semaphore, #tpu.memory_space<semaphore_mem>>) src(%arg11 : memref<320x128xf32, #tpu.memory_space<vmem>>) dst(%dma_wait3A_50 : memref<320x128xf32, #tpu.memory_space<hbm>>)
      tpu.yield
    }) : () -> ()
    %barrier3A_44 = arith.constant 0 : index
    tpu.barrier barrier_id(%barrier3A_44)
    return
  }
}

module attributes {stable_mosaic.version = 14 : i64} {
  func.func @_h_body(%arg0: i32, %arg1: memref<2048x1xi32, #tpu.memory_space<vmem>>, %arg2: memref<80x128xf32, #tpu.memory_space<vmem>>) attributes {dimension_semantics = [#tpu.dimension_semantics<arbitrary>], iteration_bounds = array<i64: 314>, scalar_prefetch = 0 : i64, scratch_operands = 0 : i64, tpu.core_type = #tpu.core_type<tc>, window_params = [{transform_indices = @transform_0, window_bounds = array<i64: 2048, 1>}, {pipeline_mode = #tpu.pipeline_mode<synchronous>, transform_indices = @transform_1, window_bounds = array<i64: 80, 128>}]} {
    %get3A = arith.constant 0 : index
    %get3A_0 = arith.constant 0 : index
    %get3A_1 = vector.load %arg1[%get3A, %get3A_0] : memref<2048x1xi32, #tpu.memory_space<vmem>>, vector<2048x1xi32>
    %shift_right_logical3A = arith.constant 7 : i32
    %shift_right_logical3A_2 = vector.broadcast %shift_right_logical3A : i32 to vector<2048x1xi32>
    %shift_right_logical3A_3 = arith.shrui %get3A_1, %shift_right_logical3A_2 : vector<2048x1xi32>
    %and3A = arith.constant 127 : i32
    %and3A_4 = vector.broadcast %and3A : i32 to vector<2048x1xi32>
    %and3A_5 = arith.andi %get3A_1, %and3A_4 : vector<2048x1xi32>
    %iota3A = tpu.iota {dimensions = array<i32: 1>} : vector<2048x80xi32>
    %iota3A_6 = tpu.iota {dimensions = array<i32: 1>} : vector<2048x128xi32>
    %eq3A = vector.broadcast %shift_right_logical3A_3 : vector<2048x1xi32> to vector<2048x80xi32>
    %eq3A_7 = arith.cmpi eq, %eq3A, %iota3A : vector<2048x80xi32>
    %convert_element_type3A = arith.extui %eq3A_7 : vector<2048x80xi1> to vector<2048x80xi32>
    %convert_element_type3A_8 = arith.sitofp %convert_element_type3A : vector<2048x80xi32> to vector<2048x80xf32>
    %eq3A_9 = vector.broadcast %and3A_5 : vector<2048x1xi32> to vector<2048x128xi32>
    %eq3A_10 = arith.cmpi eq, %eq3A_9, %iota3A_6 : vector<2048x128xi32>
    %convert_element_type3A_11 = arith.extui %eq3A_10 : vector<2048x128xi1> to vector<2048x128xi32>
    %convert_element_type3A_12 = arith.sitofp %convert_element_type3A_11 : vector<2048x128xi32> to vector<2048x128xf32>
    %dot_general3A = arith.constant dense<0.000000e+00> : vector<80x128xf32>
    %dot_general3A_13 = tpu.matmul %convert_element_type3A_8, %convert_element_type3A_12, %dot_general3A {dimension_numbers = #tpu.dot_dimension_numbers<[0], [0], [1], [1], [0, 1, 1, 1], [], []>, transpose_lhs_hint = false} : vector<2048x80xf32>, vector<2048x128xf32>, vector<80x128xf32> -> vector<80x128xf32>
    %eq3A_14 = arith.constant 0 : i32
    %eq3A_15 = arith.cmpi eq, %arg0, %eq3A_14 : i32
    %convert_element_type3A_16 = arith.extui %eq3A_15 : i1 to i32
    %cond3A = arith.constant 0 : i32
    %cond3A_17 = arith.cmpi ne, %convert_element_type3A_16, %cond3A : i32
    scf.if %cond3A_17 {
      %broadcast_in_dim3A = arith.constant 0.000000e+00 : f32
      %broadcast_in_dim3A_23 = vector.broadcast %broadcast_in_dim3A : f32 to vector<80x128xf32>
      %swap3A_24 = arith.constant 0 : index
      %swap3A_25 = arith.constant 0 : index
      %swap3A_26 = vector.load %arg2[%swap3A_24, %swap3A_25] : memref<80x128xf32, #tpu.memory_space<vmem>>, vector<80x128xf32>
      tpu.vector_store %arg2[%swap3A_24, %swap3A_25], %broadcast_in_dim3A_23 {strides = array<i32>} : memref<80x128xf32, #tpu.memory_space<vmem>>, vector<80x128xf32>,
    } else {
    }
    %get3A_18 = arith.constant 0 : index
    %get3A_19 = arith.constant 0 : index
    %get3A_20 = vector.load %arg2[%get3A_18, %get3A_19] : memref<80x128xf32, #tpu.memory_space<vmem>>, vector<80x128xf32>
    %add3A = arith.addf %get3A_20, %dot_general3A_13 : vector<80x128xf32>
    %swap3A = arith.constant 0 : index
    %swap3A_21 = arith.constant 0 : index
    %swap3A_22 = vector.load %arg2[%swap3A, %swap3A_21] : memref<80x128xf32, #tpu.memory_space<vmem>>, vector<80x128xf32>
    tpu.vector_store %arg2[%swap3A, %swap3A_21], %add3A {strides = array<i32>} : memref<80x128xf32, #tpu.memory_space<vmem>>, vector<80x128xf32>,
    return
  }
  func.func @transform_0(%arg0: i32) -> (i32, i32) {
    %c0_i32 = arith.constant 0 : i32
    %c0_i32_0 = arith.constant 0 : i32
    return %arg0, %c0_i32 : i32, i32
  }
  func.func @transform_1(%arg0: i32) -> (i32, i32) {
    %c0_i32 = arith.constant 0 : i32
    %c0_i32_0 = arith.constant 0 : i32
    %c0_i32_1 = arith.constant 0 : i32
    return %c0_i32, %c0_i32_0 : i32, i32
  }
}

module attributes {stable_mosaic.version = 14 : i64} {
  func.func @_a1_body(%arg0: memref<10000x64xf32, #tpu.memory_space<vmem>>, %arg1: memref<1328x1xi32, #tpu.memory_space<vmem>>, %arg2: memref<1328x1xi32, #tpu.memory_space<vmem>>, %arg3: memref<1x64xf32, #tpu.memory_space<vmem>>, %arg4: memref<1x64xf32, #tpu.memory_space<vmem>>, %arg5: memref<64x64xf32, #tpu.memory_space<vmem>>, %arg6: memref<1x64xf32, #tpu.memory_space<vmem>>, %arg7: memref<1x64xf32, #tpu.memory_space<vmem>>, %arg8: memref<1x64xf32, #tpu.memory_space<vmem>>, %arg9: memref<10000x64xf32, #tpu.memory_space<vmem>>, %arg10: memref<166x166xf32, #tpu.memory_space<vmem>>) attributes {dimension_semantics = [], scalar_prefetch = 0 : i64, scratch_operands = 0 : i64, tpu.core_type = #tpu.core_type<tc>} {
    %get3A = arith.constant 0 : index
    %get3A_0 = arith.constant 0 : index
    %get3A_1 = vector.load %arg0[%get3A, %get3A_0] : memref<10000x64xf32, #tpu.memory_space<vmem>>, vector<10000x64xf32>
    %reduce_sum3A = arith.constant dense<0.000000e+00> : vector<64xf32>
    %reduce_sum3A_2 = vector.multi_reduction <add>, %get3A_1, %reduce_sum3A [0] : vector<10000x64xf32> to vector<64xf32>
    %broadcast_in_dim3A = vector.shape_cast %reduce_sum3A_2 : vector<64xf32> to vector<1x64xf32>
    %div3A = arith.constant 1.000000e+04 : f32
    %div3A_3 = vector.broadcast %div3A : f32 to vector<1x64xf32>
    %div3A_4 = arith.divf %broadcast_in_dim3A, %div3A_3 : vector<1x64xf32>
    %sub3A = vector.broadcast %div3A_4 : vector<1x64xf32> to vector<10000x64xf32>
    %sub3A_5 = arith.subf %get3A_1, %sub3A : vector<10000x64xf32>
    %integer_pow3A = arith.mulf %sub3A_5, %sub3A_5 : vector<10000x64xf32>
    %reduce_sum3A_6 = arith.constant dense<0.000000e+00> : vector<64xf32>
    %reduce_sum3A_7 = vector.multi_reduction <add>, %integer_pow3A, %reduce_sum3A_6 [0] : vector<10000x64xf32> to vector<64xf32>
    %broadcast_in_dim3A_8 = vector.shape_cast %reduce_sum3A_7 : vector<64xf32> to vector<1x64xf32>
    %div3A_9 = arith.constant 1.000000e+04 : f32
    %div3A_10 = vector.broadcast %div3A_9 : f32 to vector<1x64xf32>
    %div3A_11 = arith.divf %broadcast_in_dim3A_8, %div3A_10 : vector<1x64xf32>
    %get3A_12 = arith.constant 0 : index
    %get3A_13 = arith.constant 0 : index
    %get3A_14 = vector.load %arg3[%get3A_12, %get3A_13] : memref<1x64xf32, #tpu.memory_space<vmem>>, vector<1x64xf32>
    %sub3A_15 = vector.broadcast %div3A_4 : vector<1x64xf32> to vector<10000x64xf32>
    %sub3A_16 = arith.subf %get3A_1, %sub3A_15 : vector<10000x64xf32>
    %mul3A = vector.broadcast %get3A_14 : vector<1x64xf32> to vector<10000x64xf32>
    %mul3A_17 = arith.mulf %mul3A, %sub3A_16 : vector<10000x64xf32>
    %add3A = arith.constant 9.99999974E-6 : f32
    %add3A_18 = vector.broadcast %add3A : f32 to vector<1x64xf32>
    %add3A_19 = arith.addf %div3A_11, %add3A_18 : vector<1x64xf32>
    %rsqrt3A = math.rsqrt %add3A_19 : vector<1x64xf32>
    %mul3A_20 = vector.broadcast %rsqrt3A : vector<1x64xf32> to vector<10000x64xf32>
    %mul3A_21 = arith.mulf %mul3A_17, %mul3A_20 : vector<10000x64xf32>
    %get3A_22 = arith.constant 0 : index
    %get3A_23 = arith.constant 0 : index
    %get3A_24 = vector.load %arg4[%get3A_22, %get3A_23] : memref<1x64xf32, #tpu.memory_space<vmem>>, vector<1x64xf32>
    %add3A_25 = vector.broadcast %get3A_24 : vector<1x64xf32> to vector<10000x64xf32>
    %add3A_26 = arith.addf %mul3A_21, %add3A_25 : vector<10000x64xf32>
    %get3A_27 = arith.constant 0 : index
    %get3A_28 = arith.constant 0 : index
    %get3A_29 = vector.load %arg5[%get3A_27, %get3A_28] : memref<64x64xf32, #tpu.memory_space<vmem>>, vector<64x64xf32>
    %dot_general3A = arith.constant dense<0.000000e+00> : vector<10000x64xf32>
    %dot_general3A_30 = tpu.matmul %add3A_26, %get3A_29, %dot_general3A {dimension_numbers = #tpu.dot_dimension_numbers<[1], [0], [0], [1], [0, 0, 1, 1], [], []>, transpose_lhs_hint = false} : vector<10000x64xf32>, vector<64x64xf32>, vector<10000x64xf32> -> vector<10000x64xf32>
    %get3A_31 = arith.constant 0 : index
    %get3A_32 = arith.constant 0 : index
    %get3A_33 = vector.load %arg6[%get3A_31, %get3A_32] : memref<1x64xf32, #tpu.memory_space<vmem>>, vector<1x64xf32>
    %add3A_34 = vector.broadcast %get3A_33 : vector<1x64xf32> to vector<10000x64xf32>
    %add3A_35 = arith.addf %dot_general3A_30, %add3A_34 : vector<10000x64xf32>
    %max3A = arith.constant 0.000000e+00 : f32
    %max3A_36 = vector.broadcast %max3A : f32 to vector<10000x64xf32>
    %max3A_37 = arith.maximumf %add3A_35, %max3A_36 : vector<10000x64xf32>
    %reduce_sum3A_38 = arith.constant dense<0.000000e+00> : vector<64xf32>
    %reduce_sum3A_39 = vector.multi_reduction <add>, %max3A_37, %reduce_sum3A_38 [0] : vector<10000x64xf32> to vector<64xf32>
    %broadcast_in_dim3A_40 = vector.shape_cast %reduce_sum3A_39 : vector<64xf32> to vector<1x64xf32>
    %div3A_41 = arith.constant 1.000000e+04 : f32
    %div3A_42 = vector.broadcast %div3A_41 : f32 to vector<1x64xf32>
    %div3A_43 = arith.divf %broadcast_in_dim3A_40, %div3A_42 : vector<1x64xf32>
    %sub3A_44 = vector.broadcast %div3A_43 : vector<1x64xf32> to vector<10000x64xf32>
    %sub3A_45 = arith.subf %max3A_37, %sub3A_44 : vector<10000x64xf32>
    %integer_pow3A_46 = arith.mulf %sub3A_45, %sub3A_45 : vector<10000x64xf32>
    %reduce_sum3A_47 = arith.constant dense<0.000000e+00> : vector<64xf32>
    %reduce_sum3A_48 = vector.multi_reduction <add>, %integer_pow3A_46, %reduce_sum3A_47 [0] : vector<10000x64xf32> to vector<64xf32>
    %broadcast_in_dim3A_49 = vector.shape_cast %reduce_sum3A_48 : vector<64xf32> to vector<1x64xf32>
    %div3A_50 = arith.constant 1.000000e+04 : f32
    %div3A_51 = vector.broadcast %div3A_50 : f32 to vector<1x64xf32>
    %div3A_52 = arith.divf %broadcast_in_dim3A_49, %div3A_51 : vector<1x64xf32>
    %get3A_53 = arith.constant 0 : index
    %get3A_54 = arith.constant 0 : index
    %get3A_55 = vector.load %arg7[%get3A_53, %get3A_54] : memref<1x64xf32, #tpu.memory_space<vmem>>, vector<1x64xf32>
    %sub3A_56 = vector.broadcast %div3A_43 : vector<1x64xf32> to vector<10000x64xf32>
    %sub3A_57 = arith.subf %max3A_37, %sub3A_56 : vector<10000x64xf32>
    %mul3A_58 = vector.broadcast %get3A_55 : vector<1x64xf32> to vector<10000x64xf32>
    %mul3A_59 = arith.mulf %mul3A_58, %sub3A_57 : vector<10000x64xf32>
    %add3A_60 = arith.constant 9.99999974E-6 : f32
    %add3A_61 = vector.broadcast %add3A_60 : f32 to vector<1x64xf32>
    %add3A_62 = arith.addf %div3A_52, %add3A_61 : vector<1x64xf32>
    %rsqrt3A_63 = math.rsqrt %add3A_62 : vector<1x64xf32>
    %mul3A_64 = vector.broadcast %rsqrt3A_63 : vector<1x64xf32> to vector<10000x64xf32>
    %mul3A_65 = arith.mulf %mul3A_59, %mul3A_64 : vector<10000x64xf32>
    %get3A_66 = arith.constant 0 : index
    %get3A_67 = arith.constant 0 : index
    %get3A_68 = vector.load %arg8[%get3A_66, %get3A_67] : memref<1x64xf32, #tpu.memory_space<vmem>>, vector<1x64xf32>
    %add3A_69 = vector.broadcast %get3A_68 : vector<1x64xf32> to vector<10000x64xf32>
    %add3A_70 = arith.addf %mul3A_65, %add3A_69 : vector<10000x64xf32>
    %swap3A = arith.constant 0 : index
    %swap3A_71 = arith.constant 0 : index
    %swap3A_72 = vector.load %arg9[%swap3A, %swap3A_71] : memref<10000x64xf32, #tpu.memory_space<vmem>>, vector<10000x64xf32>
    tpu.vector_store %arg9[%swap3A, %swap3A_71], %add3A_70 {strides = array<i32>} : memref<10000x64xf32, #tpu.memory_space<vmem>>, vector<10000x64xf32>,
    %get3A_73 = arith.constant 0 : index
    %get3A_74 = arith.constant 0 : index
    %get3A_75 = vector.load %arg2[%get3A_73, %get3A_74] : memref<1328x1xi32, #tpu.memory_space<vmem>>, vector<1328x1xi32>
    %get3A_76 = arith.constant 0 : index
    %get3A_77 = arith.constant 0 : index
    %get3A_78 = vector.load %arg1[%get3A_76, %get3A_77] : memref<1328x1xi32, #tpu.memory_space<vmem>>, vector<1328x1xi32>
    %iota3A = tpu.iota {dimensions = array<i32: 1>} : vector<1328x166xi32>
    %eq3A = vector.broadcast %get3A_75 : vector<1328x1xi32> to vector<1328x166xi32>
    %eq3A_79 = arith.cmpi eq, %eq3A, %iota3A : vector<1328x166xi32>
    %convert_element_type3A = arith.extui %eq3A_79 : vector<1328x166xi1> to vector<1328x166xi32>
    %convert_element_type3A_80 = arith.sitofp %convert_element_type3A : vector<1328x166xi32> to vector<1328x166xf32>
    %eq3A_81 = vector.broadcast %get3A_78 : vector<1328x1xi32> to vector<1328x166xi32>
    %eq3A_82 = arith.cmpi eq, %eq3A_81, %iota3A : vector<1328x166xi32>
    %convert_element_type3A_83 = arith.extui %eq3A_82 : vector<1328x166xi1> to vector<1328x166xi32>
    %convert_element_type3A_84 = arith.sitofp %convert_element_type3A_83 : vector<1328x166xi32> to vector<1328x166xf32>
    %reduce_sum3A_85 = arith.constant dense<0.000000e+00> : vector<166xf32>
    %reduce_sum3A_86 = vector.multi_reduction <add>, %convert_element_type3A_80, %reduce_sum3A_85 [0] : vector<1328x166xf32> to vector<166xf32>
    %broadcast_in_dim3A_87 = vector.shape_cast %reduce_sum3A_86 : vector<166xf32> to vector<1x166xf32>
    %add3A_88 = arith.constant 1.000000e+00 : f32
    %add3A_89 = vector.broadcast %add3A_88 : f32 to vector<1x166xf32>
    %add3A_90 = arith.addf %broadcast_in_dim3A_87, %add3A_89 : vector<1x166xf32>
    %rsqrt3A_91 = math.rsqrt %add3A_90 : vector<1x166xf32>
    %mul3A_92 = vector.broadcast %rsqrt3A_91 : vector<1x166xf32> to vector<1328x166xf32>
    %mul3A_93 = arith.mulf %convert_element_type3A_80, %mul3A_92 : vector<1328x166xf32>
    %reduce_sum3A_94 = arith.constant dense<0.000000e+00> : vector<1328xf32>
    %reduce_sum3A_95 = vector.multi_reduction <add>, %mul3A_93, %reduce_sum3A_94 [1] : vector<1328x166xf32> to vector<1328xf32>
    %broadcast_in_dim3A_96 = vector.shape_cast %reduce_sum3A_95 : vector<1328xf32> to vector<1328x1xf32>
    %mul3A_97 = vector.broadcast %rsqrt3A_91 : vector<1x166xf32> to vector<1328x166xf32>
    %mul3A_98 = arith.mulf %convert_element_type3A_84, %mul3A_97 : vector<1328x166xf32>
    %reduce_sum3A_99 = arith.constant dense<0.000000e+00> : vector<1328xf32>
    %reduce_sum3A_100 = vector.multi_reduction <add>, %mul3A_98, %reduce_sum3A_99 [1] : vector<1328x166xf32> to vector<1328xf32>
    %broadcast_in_dim3A_101 = vector.shape_cast %reduce_sum3A_100 : vector<1328xf32> to vector<1328x1xf32>
    %mul3A_102 = arith.mulf %broadcast_in_dim3A_96, %broadcast_in_dim3A_101 : vector<1328x1xf32>
    %mul3A_103 = vector.broadcast %mul3A_102 : vector<1328x1xf32> to vector<1328x166xf32>
    %mul3A_104 = arith.mulf %convert_element_type3A_80, %mul3A_103 : vector<1328x166xf32>
    %dot_general3A_105 = arith.constant dense<0.000000e+00> : vector<166x166xf32>
    %dot_general3A_106 = tpu.matmul %mul3A_104, %convert_element_type3A_84, %dot_general3A_105 {dimension_numbers = #tpu.dot_dimension_numbers<[0], [0], [1], [1], [0, 1, 1, 1], [], []>, transpose_lhs_hint = false} : vector<1328x166xf32>, vector<1328x166xf32>, vector<166x166xf32> -> vector<166x166xf32>
    %iota3A_107 = tpu.iota {dimensions = array<i32: 0>} : vector<166x166xi32>
    %iota3A_108 = tpu.iota {dimensions = array<i32: 1>} : vector<166x166xi32>
    %eq3A_109 = arith.cmpi eq, %iota3A_107, %iota3A_108 : vector<166x166xi32>
    %mul3A_110 = arith.mulf %rsqrt3A_91, %rsqrt3A_91 : vector<1x166xf32>
    %jit3A = arith.constant 0.000000e+00 : f32
    %broadcast_in_dim3A_111 = vector.shape_cast %mul3A_110 : vector<1x166xf32> to vector<1x166xf32>
    %broadcast_in_dim3A_112 = vector.broadcast %broadcast_in_dim3A_111 : vector<1x166xf32> to vector<166x166xf32>
    %broadcast_in_dim3A_113 = vector.broadcast %jit3A : f32 to vector<166x166xf32>
    %select_n3A = arith.select %eq3A_109, %broadcast_in_dim3A_112, %broadcast_in_dim3A_113 : vector<166x166xi1>, vector<166x166xf32>
    %add3A_114 = arith.addf %dot_general3A_106, %select_n3A : vector<166x166xf32>
    %swap3A_115 = arith.constant 0 : index
    %swap3A_116 = arith.constant 0 : index
    %swap3A_117 = vector.load %arg10[%swap3A_115, %swap3A_116] : memref<166x166xf32, #tpu.memory_space<vmem>>, vector<166x166xf32>
    tpu.vector_store %arg10[%swap3A_115, %swap3A_116], %add3A_114 {strides = array<i32>} : memref<166x166xf32, #tpu.memory_space<vmem>>, vector<166x166xf32>,
    return
  }
}

module attributes {stable_mosaic.version = 14 : i64} {
  func.func @_a2_body(%arg0: i32, %arg1: memref<80x166xf32, #tpu.memory_space<vmem>>, %arg2: memref<80x166xf32, #tpu.memory_space<vmem>>, %arg3: memref<80x166xf32, #tpu.memory_space<vmem>>, %arg4: memref<166x166xf32, #tpu.memory_space<vmem>>, %arg5: memref<40x128xf32, #tpu.memory_space<vmem>>, %arg6: memref<240x5120xf32, #tpu.memory_space<vmem>>, %arg7: memref<1x5120xf32, #tpu.memory_space<vmem>>, %arg8: memref<128x128xf32, #tpu.memory_space<vmem>>, %arg9: memref<1x5120xf32, #tpu.memory_space<vmem>>, %arg10: memref<128x128xf32, #tpu.memory_space<vmem>>, %arg11: memref<128x128xf32, #tpu.memory_space<vmem>>, %arg12: memref<1x128xf32, #tpu.memory_space<vmem>>, %arg13: memref<128x128xf32, #tpu.memory_space<vmem>>, %arg14: memref<40x128xf32, #tpu.memory_space<vmem>>) attributes {dimension_semantics = [#tpu.dimension_semantics<arbitrary>], iteration_bounds = array<i64: 125>, scalar_prefetch = 0 : i64, scratch_operands = 0 : i64, tpu.core_type = #tpu.core_type<tc>, window_params = [{transform_indices = @transform_0, window_bounds = array<i64: 80, 166>}, {transform_indices = @transform_1, window_bounds = array<i64: 80, 166>}, {transform_indices = @transform_2, window_bounds = array<i64: 80, 166>}, {pipeline_mode = #tpu.pipeline_mode<synchronous>, transform_indices = @transform_3, window_bounds = array<i64: 166, 166>}, {transform_indices = @transform_4, window_bounds = array<i64: 40, 128>}, {pipeline_mode = #tpu.pipeline_mode<synchronous>, transform_indices = @transform_5, window_bounds = array<i64: 240, 5120>}, {pipeline_mode = #tpu.pipeline_mode<synchronous>, transform_indices = @transform_6, window_bounds = array<i64: 1, 5120>}, {pipeline_mode = #tpu.pipeline_mode<synchronous>, transform_indices = @transform_7, window_bounds = array<i64: 128, 128>}, {pipeline_mode = #tpu.pipeline_mode<synchronous>, transform_indices = @transform_8, window_bounds = array<i64: 1, 5120>}, {pipeline_mode = #tpu.pipeline_mode<synchronous>, transform_indices = @transform_9, window_bounds = array<i64: 128, 128>}, {pipeline_mode = #tpu.pipeline_mode<synchronous>, transform_indices = @transform_10, window_bounds = array<i64: 128, 128>}, {pipeline_mode = #tpu.pipeline_mode<synchronous>, transform_indices = @transform_11, window_bounds = array<i64: 1, 128>}, {pipeline_mode = #tpu.pipeline_mode<synchronous>, transform_indices = @transform_12, window_bounds = array<i64: 128, 128>}, {transform_indices = @transform_13, window_bounds = array<i64: 40, 128>}]} {
    %get3A = arith.constant 0 : index
    %get3A_0 = arith.constant 0 : index
    %get3A_1 = vector.load %arg4[%get3A, %get3A_0] : memref<166x166xf32, #tpu.memory_space<vmem>>, vector<166x166xf32>
    %get3A_2 = arith.constant 0 : index
    %get3A_3 = arith.constant 0 : index
    %get3A_4 = vector.load %arg1[%get3A_2, %get3A_3] : memref<80x166xf32, #tpu.memory_space<vmem>>, vector<80x166xf32>
    %dot_general3A = arith.constant dense<0.000000e+00> : vector<166x80xf32>
    %dot_general3A_5 = tpu.matmul %get3A_1, %get3A_4, %dot_general3A {dimension_numbers = #tpu.dot_dimension_numbers<[1], [1], [0], [0], [0, 0, 1, 0], [], []>, transpose_lhs_hint = false} : vector<166x166xf32>, vector<80x166xf32>, vector<166x80xf32> -> vector<166x80xf32>
    %get3A_6 = arith.constant 0 : index
    %get3A_7 = arith.constant 0 : index
    %get3A_8 = vector.load %arg2[%get3A_6, %get3A_7] : memref<80x166xf32, #tpu.memory_space<vmem>>, vector<80x166xf32>
    %dot_general3A_9 = arith.constant dense<0.000000e+00> : vector<166x80xf32>
    %dot_general3A_10 = tpu.matmul %get3A_1, %get3A_8, %dot_general3A_9 {dimension_numbers = #tpu.dot_dimension_numbers<[1], [1], [0], [0], [0, 0, 1, 0], [], []>, transpose_lhs_hint = false} : vector<166x166xf32>, vector<80x166xf32>, vector<166x80xf32> -> vector<166x80xf32>
    %get3A_11 = arith.constant 0 : index
    %get3A_12 = arith.constant 0 : index
    %get3A_13 = vector.load %arg3[%get3A_11, %get3A_12] : memref<80x166xf32, #tpu.memory_space<vmem>>, vector<80x166xf32>
    %dot_general3A_14 = arith.constant dense<0.000000e+00> : vector<166x80xf32>
    %dot_general3A_15 = tpu.matmul %get3A_1, %get3A_13, %dot_general3A_14 {dimension_numbers = #tpu.dot_dimension_numbers<[1], [1], [0], [0], [0, 0, 1, 0], [], []>, transpose_lhs_hint = false} : vector<166x166xf32>, vector<80x166xf32>, vector<166x80xf32> -> vector<166x80xf32>
    %concatenate3A = tpu.concatenate %dot_general3A_5, %dot_general3A_10, %dot_general3A_15 in 1 : vector<166x80xf32>, vector<166x80xf32>, vector<166x80xf32> -> vector<166x240xf32>
    %get3A_16 = arith.constant 0 : index
    %get3A_17 = arith.constant 0 : index
    %get3A_18 = vector.load %arg6[%get3A_16, %get3A_17] : memref<240x5120xf32, #tpu.memory_space<vmem>>, vector<240x5120xf32>
    %dot_general3A_19 = arith.constant dense<0.000000e+00> : vector<166x5120xf32>
    %dot_general3A_20 = tpu.matmul %concatenate3A, %get3A_18, %dot_general3A_19 {dimension_numbers = #tpu.dot_dimension_numbers<[1], [0], [0], [1], [0, 0, 1, 1], [], []>, transpose_lhs_hint = false} : vector<166x240xf32>, vector<240x5120xf32>, vector<166x5120xf32> -> vector<166x5120xf32>
    %get3A_21 = arith.constant 0 : index
    %get3A_22 = arith.constant 0 : index
    %get3A_23 = vector.load %arg7[%get3A_21, %get3A_22] : memref<1x5120xf32, #tpu.memory_space<vmem>>, vector<1x5120xf32>
    %add3A = vector.broadcast %get3A_23 : vector<1x5120xf32> to vector<166x5120xf32>
    %add3A_24 = arith.addf %dot_general3A_20, %add3A : vector<166x5120xf32>
    %max3A = arith.constant 0.000000e+00 : f32
    %max3A_25 = vector.broadcast %max3A : f32 to vector<166x5120xf32>
    %max3A_26 = arith.maximumf %add3A_24, %max3A_25 : vector<166x5120xf32>
    %reshape3A = vector.shape_cast %max3A_26 : vector<166x5120xf32> to vector<6640x128xf32>
    %get3A_27 = arith.constant 0 : index
    %get3A_28 = arith.constant 0 : index
    %get3A_29 = vector.load %arg8[%get3A_27, %get3A_28] : memref<128x128xf32, #tpu.memory_space<vmem>>, vector<128x128xf32>
    %dot_general3A_30 = arith.constant dense<0.000000e+00> : vector<6640x128xf32>
    %dot_general3A_31 = tpu.matmul %reshape3A, %get3A_29, %dot_general3A_30 {dimension_numbers = #tpu.dot_dimension_numbers<[1], [0], [0], [1], [0, 0, 1, 1], [], []>, transpose_lhs_hint = false} : vector<6640x128xf32>, vector<128x128xf32>, vector<6640x128xf32> -> vector<6640x128xf32>
    %reshape3A_32 = vector.shape_cast %dot_general3A_31 : vector<6640x128xf32> to vector<166x5120xf32>
    %dot_general3A_33 = arith.constant dense<0.000000e+00> : vector<166x5120xf32>
    %dot_general3A_34 = tpu.matmul %get3A_1, %reshape3A_32, %dot_general3A_33 {dimension_numbers = #tpu.dot_dimension_numbers<[1], [0], [0], [1], [0, 0, 1, 1], [], []>, transpose_lhs_hint = false} : vector<166x166xf32>, vector<166x5120xf32>, vector<166x5120xf32> -> vector<166x5120xf32>
    %get3A_35 = arith.constant 0 : index
    %get3A_36 = arith.constant 0 : index
    %get3A_37 = vector.load %arg9[%get3A_35, %get3A_36] : memref<1x5120xf32, #tpu.memory_space<vmem>>, vector<1x5120xf32>
    %add3A_38 = vector.broadcast %get3A_37 : vector<1x5120xf32> to vector<166x5120xf32>
    %add3A_39 = arith.addf %dot_general3A_34, %add3A_38 : vector<166x5120xf32>
    %max3A_40 = arith.constant 0.000000e+00 : f32
    %max3A_41 = vector.broadcast %max3A_40 : f32 to vector<166x5120xf32>
    %max3A_42 = arith.maximumf %add3A_39, %max3A_41 : vector<166x5120xf32>
    %reduce_sum3A = arith.constant dense<0.000000e+00> : vector<5120xf32>
    %reduce_sum3A_43 = vector.multi_reduction <add>, %max3A_42, %reduce_sum3A [0] : vector<166x5120xf32> to vector<5120xf32>
    %broadcast_in_dim3A = vector.shape_cast %reduce_sum3A_43 : vector<5120xf32> to vector<1x5120xf32>
    %reshape3A_44 = vector.shape_cast %broadcast_in_dim3A : vector<1x5120xf32> to vector<40x128xf32>
    %get3A_45 = arith.constant 0 : index
    %get3A_46 = arith.constant 0 : index
    %get3A_47 = vector.load %arg10[%get3A_45, %get3A_46] : memref<128x128xf32, #tpu.memory_space<vmem>>, vector<128x128xf32>
    %dot_general3A_48 = arith.constant dense<0.000000e+00> : vector<40x128xf32>
    %dot_general3A_49 = tpu.matmul %reshape3A_44, %get3A_47, %dot_general3A_48 {dimension_numbers = #tpu.dot_dimension_numbers<[1], [0], [0], [1], [0, 0, 1, 1], [], []>, transpose_lhs_hint = false} : vector<40x128xf32>, vector<128x128xf32>, vector<40x128xf32> -> vector<40x128xf32>
    %get3A_50 = arith.constant 0 : index
    %get3A_51 = arith.constant 0 : index
    %get3A_52 = vector.load %arg5[%get3A_50, %get3A_51] : memref<40x128xf32, #tpu.memory_space<vmem>>, vector<40x128xf32>
    %get3A_53 = arith.constant 0 : index
    %get3A_54 = arith.constant 0 : index
    %get3A_55 = vector.load %arg11[%get3A_53, %get3A_54] : memref<128x128xf32, #tpu.memory_space<vmem>>, vector<128x128xf32>
    %dot_general3A_56 = arith.constant dense<0.000000e+00> : vector<40x128xf32>
    %dot_general3A_57 = tpu.matmul %get3A_52, %get3A_55, %dot_general3A_56 {dimension_numbers = #tpu.dot_dimension_numbers<[1], [0], [0], [1], [0, 0, 1, 1], [], []>, transpose_lhs_hint = false} : vector<40x128xf32>, vector<128x128xf32>, vector<40x128xf32> -> vector<40x128xf32>
    %add3A_58 = arith.addf %dot_general3A_49, %dot_general3A_57 : vector<40x128xf32>
    %get3A_59 = arith.constant 0 : index
    %get3A_60 = arith.constant 0 : index
    %get3A_61 = vector.load %arg12[%get3A_59, %get3A_60] : memref<1x128xf32, #tpu.memory_space<vmem>>, vector<1x128xf32>
    %add3A_62 = vector.broadcast %get3A_61 : vector<1x128xf32> to vector<40x128xf32>
    %add3A_63 = arith.addf %add3A_58, %add3A_62 : vector<40x128xf32>
    %max3A_64 = arith.constant 0.000000e+00 : f32
    %max3A_65 = vector.broadcast %max3A_64 : f32 to vector<40x128xf32>
    %max3A_66 = arith.maximumf %add3A_63, %max3A_65 : vector<40x128xf32>
    %get3A_67 = arith.constant 0 : index
    %get3A_68 = arith.constant 0 : index
    %get3A_69 = vector.load %arg13[%get3A_67, %get3A_68] : memref<128x128xf32, #tpu.memory_space<vmem>>, vector<128x128xf32>
    %dot_general3A_70 = arith.constant dense<0.000000e+00> : vector<40x128xf32>
    %dot_general3A_71 = tpu.matmul %max3A_66, %get3A_69, %dot_general3A_70 {dimension_numbers = #tpu.dot_dimension_numbers<[1], [0], [0], [1], [0, 0, 1, 1], [], []>, transpose_lhs_hint = false} : vector<40x128xf32>, vector<128x128xf32>, vector<40x128xf32> -> vector<40x128xf32>
    %swap3A = arith.constant 0 : index
    %swap3A_72 = arith.constant 0 : index
    %swap3A_73 = vector.load %arg14[%swap3A, %swap3A_72] : memref<40x128xf32, #tpu.memory_space<vmem>>, vector<40x128xf32>
    tpu.vector_store %arg14[%swap3A, %swap3A_72], %dot_general3A_71 {strides = array<i32>} : memref<40x128xf32, #tpu.memory_space<vmem>>, vector<40x128xf32>,
    return
  }
  func.func @transform_0(%arg0: i32) -> (i32, i32) {
    %c0_i32 = arith.constant 0 : i32
    %c0_i32_0 = arith.constant 0 : i32
    return %arg0, %c0_i32 : i32, i32
  }
  func.func @transform_1(%arg0: i32) -> (i32, i32) {
    %c0_i32 = arith.constant 0 : i32
    %c0_i32_0 = arith.constant 0 : i32
    return %arg0, %c0_i32 : i32, i32
  }
  func.func @transform_2(%arg0: i32) -> (i32, i32) {
    %c0_i32 = arith.constant 0 : i32
    %c0_i32_0 = arith.constant 0 : i32
    return %arg0, %c0_i32 : i32, i32
  }
  func.func @transform_3(%arg0: i32) -> (i32, i32) {
    %c0_i32 = arith.constant 0 : i32
    %c0_i32_0 = arith.constant 0 : i32
    %c0_i32_1 = arith.constant 0 : i32
    return %c0_i32, %c0_i32_0 : i32, i32
  }
  func.func @transform_4(%arg0: i32) -> (i32, i32) {
    %c0_i32 = arith.constant 0 : i32
    %c0_i32_0 = arith.constant 0 : i32
    return %arg0, %c0_i32 : i32, i32
  }
  func.func @transform_5(%arg0: i32) -> (i32, i32) {
    %c0_i32 = arith.constant 0 : i32
    %c0_i32_0 = arith.constant 0 : i32
    %c0_i32_1 = arith.constant 0 : i32
    return %c0_i32, %c0_i32_0 : i32, i32
  }
  func.func @transform_6(%arg0: i32) -> (i32, i32) {
    %c0_i32 = arith.constant 0 : i32
    %c0_i32_0 = arith.constant 0 : i32
    %c0_i32_1 = arith.constant 0 : i32
    return %c0_i32, %c0_i32_0 : i32, i32
  }
  func.func @transform_7(%arg0: i32) -> (i32, i32) {
    %c0_i32 = arith.constant 0 : i32
    %c0_i32_0 = arith.constant 0 : i32
    %c0_i32_1 = arith.constant 0 : i32
    return %c0_i32, %c0_i32_0 : i32, i32
  }
  func.func @transform_8(%arg0: i32) -> (i32, i32) {
    %c0_i32 = arith.constant 0 : i32
    %c0_i32_0 = arith.constant 0 : i32
    %c0_i32_1 = arith.constant 0 : i32
    return %c0_i32, %c0_i32_0 : i32, i32
  }
  func.func @transform_9(%arg0: i32) -> (i32, i32) {
    %c0_i32 = arith.constant 0 : i32
    %c0_i32_0 = arith.constant 0 : i32
    %c0_i32_1 = arith.constant 0 : i32
    return %c0_i32, %c0_i32_0 : i32, i32
  }
  func.func @transform_10(%arg0: i32) -> (i32, i32) {
    %c0_i32 = arith.constant 0 : i32
    %c0_i32_0 = arith.constant 0 : i32
    %c0_i32_1 = arith.constant 0 : i32
    return %c0_i32, %c0_i32_0 : i32, i32
  }
  func.func @transform_11(%arg0: i32) -> (i32, i32) {
    %c0_i32 = arith.constant 0 : i32
    %c0_i32_0 = arith.constant 0 : i32
    %c0_i32_1 = arith.constant 0 : i32
    return %c0_i32, %c0_i32_0 : i32, i32
  }
  func.func @transform_12(%arg0: i32) -> (i32, i32) {
    %c0_i32 = arith.constant 0 : i32
    %c0_i32_0 = arith.constant 0 : i32
    %c0_i32_1 = arith.constant 0 : i32
    return %c0_i32, %c0_i32_0 : i32, i32
  }
  func.func @transform_13(%arg0: i32) -> (i32, i32) {
    %c0_i32 = arith.constant 0 : i32
    %c0_i32_0 = arith.constant 0 : i32
    return %arg0, %c0_i32 : i32, i32
  }
}

module attributes {stable_mosaic.version = 14 : i64} {
  func.func @_b_body(%arg0: memref<10000x1xf32, #tpu.memory_space<vmem>>, %arg1: memref<10000x64xf32, #tpu.memory_space<vmem>>, %arg2: memref<10000x128xf32, #tpu.memory_space<vmem>>, %arg3: memref<10000x64xf32, #tpu.memory_space<vmem>>) attributes {dimension_semantics = [], scalar_prefetch = 0 : i64, scratch_operands = 0 : i64, tpu.core_type = #tpu.core_type<tc>} {
    %get3A = arith.constant 0 : index
    %get3A_0 = arith.constant 0 : index
    %get3A_1 = vector.load %arg0[%get3A, %get3A_0] : memref<10000x1xf32, #tpu.memory_space<vmem>>, vector<10000x1xf32>
    %add3A = arith.constant 1.000000e+00 : f32
    %add3A_2 = vector.broadcast %add3A : f32 to vector<10000x1xf32>
    %add3A_3 = arith.addf %get3A_1, %add3A_2 : vector<10000x1xf32>
    %rsqrt3A = math.rsqrt %add3A_3 : vector<10000x1xf32>
    %get3A_4 = arith.constant 0 : index
    %get3A_5 = arith.constant 0 : index
    %get3A_6 = vector.load %arg1[%get3A_4, %get3A_5] : memref<10000x64xf32, #tpu.memory_space<vmem>>, vector<10000x64xf32>
    %mul3A = vector.broadcast %rsqrt3A : vector<10000x1xf32> to vector<10000x64xf32>
    %mul3A_7 = arith.mulf %get3A_6, %mul3A : vector<10000x64xf32>
    %swap3A = arith.constant 0 : index
    %swap3A_8 = arith.constant 0 : index
    %swap3A_9 = vector.load %arg2[%swap3A, %swap3A_8] : memref<10000x128xf32, #tpu.memory_space<vmem>>, vector<10000x64xf32>
    tpu.vector_store %arg2[%swap3A, %swap3A_8], %mul3A_7 {strides = array<i32>} : memref<10000x128xf32, #tpu.memory_space<vmem>>, vector<10000x64xf32>,
    %broadcast_in_dim3A = arith.constant 0.000000e+00 : f32
    %broadcast_in_dim3A_10 = vector.broadcast %broadcast_in_dim3A : f32 to vector<10000x64xf32>
    %swap3A_11 = arith.constant 0 : index
    %swap3A_12 = arith.constant 64 : index
    %swap3A_13 = vector.load %arg2[%swap3A_11, %swap3A_12] : memref<10000x128xf32, #tpu.memory_space<vmem>>, vector<10000x64xf32>
    tpu.vector_store %arg2[%swap3A_11, %swap3A_12], %broadcast_in_dim3A_10 {strides = array<i32>} : memref<10000x128xf32, #tpu.memory_space<vmem>>, vector<10000x64xf32>,
    %broadcast_in_dim3A_14 = vector.shape_cast %rsqrt3A : vector<10000x1xf32> to vector<10000x1xf32>
    %broadcast_in_dim3A_15 = vector.broadcast %broadcast_in_dim3A_14 : vector<10000x1xf32> to vector<10000x64xf32>
    %swap3A_16 = arith.constant 0 : index
    %swap3A_17 = arith.constant 0 : index
    %swap3A_18 = vector.load %arg3[%swap3A_16, %swap3A_17] : memref<10000x64xf32, #tpu.memory_space<vmem>>, vector<10000x64xf32>
    tpu.vector_store %arg3[%swap3A_16, %swap3A_17], %broadcast_in_dim3A_15 {strides = array<i32>} : memref<10000x64xf32, #tpu.memory_space<vmem>>, vector<10000x64xf32>,
    return
  }
}

module attributes {stable_mosaic.version = 14 : i64} {
  func.func @_c_body(%arg0: memref<10000x64xf32, #tpu.memory_space<vmem>>, %arg1: memref<10000x64xf32, #tpu.memory_space<vmem>>, %arg2: memref<10000x64xf32, #tpu.memory_space<vmem>>, %arg3: memref<10000x64xf32, #tpu.memory_space<vmem>>, %arg4: memref<1x64xf32, #tpu.memory_space<vmem>>, %arg5: memref<64x10xf32, #tpu.memory_space<vmem>>, %arg6: memref<1x10xf32, #tpu.memory_space<vmem>>, %arg7: memref<10000x10xf32, #tpu.memory_space<vmem>>) attributes {dimension_semantics = [], scalar_prefetch = 0 : i64, scratch_operands = 0 : i64, tpu.core_type = #tpu.core_type<tc>} {
    %get3A = arith.constant 0 : index
    %get3A_0 = arith.constant 0 : index
    %get3A_1 = vector.load %arg2[%get3A, %get3A_0] : memref<10000x64xf32, #tpu.memory_space<vmem>>, vector<10000x64xf32>
    %get3A_2 = arith.constant 0 : index
    %get3A_3 = arith.constant 0 : index
    %get3A_4 = vector.load %arg0[%get3A_2, %get3A_3] : memref<10000x64xf32, #tpu.memory_space<vmem>>, vector<10000x64xf32>
    %get3A_5 = arith.constant 0 : index
    %get3A_6 = arith.constant 0 : index
    %get3A_7 = vector.load %arg1[%get3A_5, %get3A_6] : memref<10000x64xf32, #tpu.memory_space<vmem>>, vector<10000x64xf32>
    %add3A = arith.addf %get3A_4, %get3A_7 : vector<10000x64xf32>
    %mul3A = arith.mulf %get3A_1, %add3A : vector<10000x64xf32>
    %mul3A_8 = arith.mulf %get3A_1, %get3A_1 : vector<10000x64xf32>
    %get3A_9 = arith.constant 0 : index
    %get3A_10 = arith.constant 0 : index
    %get3A_11 = vector.load %arg3[%get3A_9, %get3A_10] : memref<10000x64xf32, #tpu.memory_space<vmem>>, vector<10000x64xf32>
    %mul3A_12 = arith.mulf %mul3A_8, %get3A_11 : vector<10000x64xf32>
    %add3A_13 = arith.addf %mul3A, %mul3A_12 : vector<10000x64xf32>
    %get3A_14 = arith.constant 0 : index
    %get3A_15 = arith.constant 0 : index
    %get3A_16 = vector.load %arg4[%get3A_14, %get3A_15] : memref<1x64xf32, #tpu.memory_space<vmem>>, vector<1x64xf32>
    %add3A_17 = vector.broadcast %get3A_16 : vector<1x64xf32> to vector<10000x64xf32>
    %add3A_18 = arith.addf %add3A_13, %add3A_17 : vector<10000x64xf32>
    %tanh3A = math.tanh %add3A_18 : vector<10000x64xf32>
    %get3A_19 = arith.constant 0 : index
    %get3A_20 = arith.constant 0 : index
    %get3A_21 = vector.load %arg5[%get3A_19, %get3A_20] : memref<64x10xf32, #tpu.memory_space<vmem>>, vector<64x10xf32>
    %dot_general3A = arith.constant dense<0.000000e+00> : vector<10000x10xf32>
    %dot_general3A_22 = tpu.matmul %tanh3A, %get3A_21, %dot_general3A {dimension_numbers = #tpu.dot_dimension_numbers<[1], [0], [0], [1], [0, 0, 1, 1], [], []>, transpose_lhs_hint = false} : vector<10000x64xf32>, vector<64x10xf32>, vector<10000x10xf32> -> vector<10000x10xf32>
    %get3A_23 = arith.constant 0 : index
    %get3A_24 = arith.constant 0 : index
    %get3A_25 = vector.load %arg6[%get3A_23, %get3A_24] : memref<1x10xf32, #tpu.memory_space<vmem>>, vector<1x10xf32>
    %add3A_26 = vector.broadcast %get3A_25 : vector<1x10xf32> to vector<10000x10xf32>
    %add3A_27 = arith.addf %dot_general3A_22, %add3A_26 : vector<10000x10xf32>
    %reduce_max3A = arith.constant dense<0xFF800000> : vector<10000xf32>
    %reduce_max3A_28 = vector.multi_reduction <maximumf>, %add3A_27, %reduce_max3A [1] : vector<10000x10xf32> to vector<10000xf32>
    %broadcast_in_dim3A = vector.shape_cast %reduce_max3A_28 : vector<10000xf32> to vector<10000x1xf32>
    %sub3A = vector.broadcast %broadcast_in_dim3A : vector<10000x1xf32> to vector<10000x10xf32>
    %sub3A_29 = arith.subf %add3A_27, %sub3A : vector<10000x10xf32>
    %exp3A = math.exp %sub3A_29 : vector<10000x10xf32>
    %reduce_sum3A = arith.constant dense<0.000000e+00> : vector<10000xf32>
    %reduce_sum3A_30 = vector.multi_reduction <add>, %exp3A, %reduce_sum3A [1] : vector<10000x10xf32> to vector<10000xf32>
    %broadcast_in_dim3A_31 = vector.shape_cast %reduce_sum3A_30 : vector<10000xf32> to vector<10000x1xf32>
    %log3A = math.log %broadcast_in_dim3A_31 : vector<10000x1xf32>
    %add3A_32 = arith.addf %log3A, %broadcast_in_dim3A : vector<10000x1xf32>
    %sub3A_33 = vector.broadcast %add3A_32 : vector<10000x1xf32> to vector<10000x10xf32>
    %sub3A_34 = arith.subf %add3A_27, %sub3A_33 : vector<10000x10xf32>
    %swap3A = arith.constant 0 : index
    %swap3A_35 = arith.constant 0 : index
    %swap3A_36 = vector.load %arg7[%swap3A, %swap3A_35] : memref<10000x10xf32, #tpu.memory_space<vmem>>, vector<10000x10xf32>
    tpu.vector_store %arg7[%swap3A, %swap3A_35], %sub3A_34 {strides = array<i32>} : memref<10000x10xf32, #tpu.memory_space<vmem>>, vector<10000x10xf32>,
    return
  }
}

</mosaic_0001>

<sc_bundles>
// kernel: kernel.8.cloned.1.call-start
scs
__scs_entry_jumppad:
0x0: {  	(pc) =	sbr.rel $0x88, $3  }
0x1: {  	(tag) =	ssettag $0x0;
	lr =	simm.s32 $0x1  }
0x2: {  	[smem:$0x3F8D] =	sst lr;
	_ =	strace $0xD0000000  }
0x3: {  	_ = 	snop  }
0x4: {  	_ = 	snop  }
0x5: {  	_ = 	snop  }
0x6: {  	_ = 	snop  }
0x7: {  	_ = 	snop  }
__scs_overlays_trampoline_lowered:
0x8: {  	[smem:$0x3F9C] =	sst s0  }
0x9: {  	[smem:$0x3F9D] =	sst s1  }
0xa: {  	[smem:$0x3F9E] =	sst s2  }
0xb: {  	[smem:$0x3F9F] =	sst s3  }
0xc: {  	[smem:$0x3FA0] =	sst s4  }
0xd: {  	[smem:$0x3FA1] =	sst s5  }
0xe: {  	[smem:$0x3FA2] =	sst s6  }
0xf: {  	[smem:$0x3FA3] =	sst s7  }
0x10: {  	[smem:$0x3FA4] =	sst s8  }
0x11: {  	[smem:$0x3FA5] =	sst s9;
	s0 =	simm.s32 @!p0 $0x0  }
0x12: {  	s1 =	sld [smem:$0x3F8B];
	s0 =	simm.s32 @p0 $0x1  }
0x13: {  	[smem:$0x3FA6] =	sst s0;
	s0 =	simm.s32 @!p1 $0x0  }
0x14: {  	s2 =	sld [smem:$0x3F8A];
	s0 =	simm.s32 @p1 $0x1  }
0x15: {  	[smem:$0x3FA7] =	sst s0;
	s0 =	simm.s32 @!p2 $0x0  }
0x16: {  	s3 =	sld [smem:$0x3FDB];
	s0 =	simm.s32 @p2 $0x1  }
0x17: {  	s4 =	simm.s32 $0x1BF5;
	[smem:$0x3FA9] =	sst s0  }
0x18: {  	s0 =	sld [smem:$0x3F8C];
	_ =	swait.ge [sflag:s4], $0x0  }
0x19: {  	s7 =	sld [smem:$0x3F8D]  }
0x1a: {  	s8 =	sadd.s32 $0xFFFFE003, lr  }
0x1b: {  	s9 =	sadd.s32 $0xFFFFFEF7, lr;
	s5 =	simm.s32 $0xFFFFFFFF;
	p2 =	slt.u32 s8, $0xFFFFF086  }
0x1c: {  	p1 =	slt.u32 s9, $0xF7A;
	s5 =	simm.s32 @!p2 $0x0  }
0x1d: {  	s5 =	simm.s32 @p1 $0x1;
	p0 =	seq.s32 s7, s2  }
0x1e: {  	s7 =	smul.u32 @!p0 $0xF7A, s2;
	p2 =	seq.s32 @!p0 s5, $0x0  }
0x1f: {  	s9 =	smul.u32 $0xF7A, s1;
	s8 =	simm.s32 @!p0 $0x1BF5;
	p2 =	por !p2, p0  }
0x20: {  	[sflag:s8] =	ssyncset.s32 @!p0 $0xFFFFF086;
	s6 =	sadd.s32 @!p0 s3, s7;
	s7 =	simm.s32 @!p0 $0x108  }
0x21: {  	s3 =	sadd.s32 s3, s9;
	s6 =	sadd.s32 @!p0 $0x88, s6;
	s7 =	simm.s32 @p2 $0x1082  }
0x22: {  	[simem:s7], [sflag:s8] =	dma.local @!p0 [hbm:s6], $0xF7A  }
0x23: {  	s9 =	sor.u32 $0xD0000000, s2;
	s6 =	simm.s32 $0x108;
	_ =	swait.ge @!p0 [sflag:s8], $0x0  }
0x24: {  	s3 =	sadd.s32 $0x88, s3;
	s6 =	simm.s32 @!p1 $0x1082;
	[sflag:s4] =	ssyncset.s32 $0xFFFFF086  }
0x25: {  	[simem:s6], [sflag:s4] =	dma.local [hbm:s3], $0xF7A  }
0x26: {  	[smem:$0x3F8D] =	sst s1;
	(tag) =	ssettag s2;
	_ =	strace s9  }
0x27: {  	s1 =	sld [smem:$0x3F9D]  }
0x28: {  	s2 =	sld [smem:$0x3F9E]  }
0x29: {  	s4 =	sld [smem:$0x3FA0]  }
0x2a: {  	p0 =	seq.s32 s5, $0x0;
	s5 =	sld [smem:$0x3FA1]  }
0x2b: {  	s6 =	sld [smem:$0x3FA2]  }
0x2c: {  	s7 =	sld [smem:$0x3FA3]  }
0x2d: {  	s3 =	simm.s32 $0x108;
	s8 =	sld [smem:$0x3FA4]  }
0x2e: {  	s3 =	simm.s32 @!p0 $0x1082;
	s9 =	sld [smem:$0x3FA5]  }
0x2f: {  	lr =	sadd.s32 s0, s3;
	s0 =	sld [smem:$0x3F9C]  }
0x30: {  	s3 =	sld [smem:$0x3F9F]  }
0x31: {  	[smem:$0x3FA8] =	sst s10  }
0x32: {  	s10 =	sld [smem:$0x3FA6];
	_ =	sdelay $0x3  }
0x33: {  	p0 =	seq.s32 s10, $0x1;
	s10 =	sld [smem:$0x3FA8];
	_ =	sdelay $0x3  }
0x34: {  	[smem:$0x3FA8] =	sst s10  }
0x35: {  	s10 =	sld [smem:$0x3FA7];
	_ =	sdelay $0x3  }
0x36: {  	p1 =	seq.s32 s10, $0x1;
	s10 =	sld [smem:$0x3FA8];
	_ =	sdelay $0x3  }
0x37: {  	[smem:$0x3FA8] =	sst s10  }
0x38: {  	s10 =	sld [smem:$0x3FA9]  }
0x39: {  	_ = 	snop;
	(pc) =	sbr.ind lr, $3  }
0x3a: {  	_ = 	snop  }
0x3b: {  	_ = 	snop  }
0x3c: {  	p2 =	seq.s32 s10, $0x1;
	s10 =	sld [smem:$0x3FA8]  }
0x3d: {  	_ =	shalt  }
0x3e: {  	_ =	shalt  }
0x3f: {  	_ =	shalt  }
0x40: {  	_ =	shalt  }
0x41: {  	_ =	shalt  }
0x42: {  	_ =	shalt  }
0x43: {  	_ =	shalt  }
0x44: {  	_ =	shalt  }
0x45: {  	_ =	shalt  }
0x46: {  	_ =	shalt  }
0x47: {  	_ =	shalt  }
0x48: {  	_ =	shalt  }
0x49: {  	_ =	shalt  }
0x4a: {  	_ =	shalt  }
0x4b: {  	_ =	shalt  }
0x4c: {  	_ =	shalt  }
0x4d: {  	_ =	shalt  }
0x4e: {  	_ =	shalt  }
0x4f: {  	_ =	shalt  }
0x50: {  	_ =	shalt  }
0x51: {  	_ =	shalt  }
0x52: {  	_ =	shalt  }
0x53: {  	_ =	shalt  }
0x54: {  	_ =	shalt  }
0x55: {  	_ =	shalt  }
0x56: {  	_ =	shalt  }
0x57: {  	_ =	shalt  }
0x58: {  	_ =	shalt  }
0x59: {  	_ =	shalt  }
0x5a: {  	_ =	shalt  }
0x5b: {  	_ =	shalt  }
0x5c: {  	_ =	shalt  }
0x5d: {  	_ =	shalt  }
0x5e: {  	_ =	shalt  }
0x5f: {  	_ =	shalt  }
0x60: {  	_ =	shalt  }
0x61: {  	_ =	shalt  }
0x62: {  	_ =	shalt  }
0x63: {  	_ =	shalt  }
0x64: {  	_ =	shalt  }
0x65: {  	_ =	shalt  }
0x66: {  	_ =	shalt  }
0x67: {  	_ =	shalt  }
0x68: {  	_ =	shalt  }
0x69: {  	_ =	shalt  }
0x6a: {  	_ =	shalt  }
0x6b: {  	_ =	shalt  }
0x6c: {  	_ =	shalt  }
0x6d: {  	_ =	shalt  }
0x6e: {  	_ =	shalt  }
0x6f: {  	_ =	shalt  }
0x70: {  	_ =	shalt  }
0x71: {  	_ =	shalt  }
0x72: {  	_ =	shalt  }
0x73: {  	_ =	shalt  }
0x74: {  	_ =	shalt  }
0x75: {  	_ =	shalt  }
0x76: {  	_ =	shalt  }
0x77: {  	_ =	shalt  }
0x78: {  	_ =	shalt  }
0x79: {  	_ =	shalt  }
0x7a: {  	_ =	shalt  }
0x7b: {  	_ =	shalt  }
0x7c: {  	_ =	shalt  }
0x7d: {  	_ =	shalt  }
0x7e: {  	_ =	shalt  }
0x7f: {  	_ =	shalt  }
0x80: {  	_ =	shalt  }
0x81: {  	_ =	shalt  }
0x82: {  	_ =	shalt  }
0x83: {  	_ =	shalt  }
0x84: {  	_ =	shalt  }
0x85: {  	_ =	shalt  }
0x86: {  	_ =	shalt  }
0x87: {  	_ =	shalt  }
.Lfunc_end0:
.L_simem_size_0:
called_computation_lowered:
.L_overlay_start_0:
0x88: {  	s2 =	sld [smem:$0x3FD9]  }
0x89: {  	s3 =	sld [smem:$0x3FFE];
	_ =	sdelay $0x1  }
0x8a: {  	s1 =	srdreg.scid  }
0x8b: {  	s0 =	sand.u32 $0x1, s1  }
0x8c: {  	s17 =	sshll.u32 s0, $0xA;
	s2 =	sadd.s32 s3, s2  }
0x8d: {  	s2 =	sadd.s32 s2, s17  }
0x8e: {  	[smem:$0x3FB4] =	sst s2  }
0x8f: {  	_ = 	snop  }
0x90: {  	s2 =	sld [smem:$0x3FD0];
	(tm) =	ssettm $0x1  }
0x91: {  	s18 =	sld [smem:$0x3FFB];
	_ =	sdelay $0x3  }
0x92: {  	_ =	strace s18  }
0x93: {  	s3 =	sld [smem:$0x3FFC];
	_ =	sdelay $0x3  }
0x94: {  	_ =	strace s3  }
0x95: {  	s3 =	sld [smem:$0x3FFD];
	_ =	sdelay $0x3  }
0x96: {  	_ =	strace s3  }
0x97: {  	_ =	strace $0x8FFFFFFF  }
0x98: {  	s19 =	sld [smem:$0x3FDB];
	_ =	sdelay $0x1  }
0x99: {  	s4 =	simm.s32 $_scs_section_size  }
0x9a: {  	s5 =	simm.s32 $_size__tile_overlayer_lowered;
	s6 =	simm.s32 $_tile_overlayer_lowered  }
0x9b: {  	s22 =	simm.s32 $0x1BFF;
	s21 =	sshll.u32 s6, $0x1;
	s3 =	sadd.s32 s4, s19  }
0x9c: {  	s7 =	simm.s32 $0x0;
	s20 =	sshll.u32 s5, $0x1;
	s5 =	sadd.s32 s21, s3  }
0x9d: {  	[timem:s7], [sflag:s22] =	dma.local [hbm:s5], s20  }
0x9e: {  	_ =	swait.ge [sflag:s22], s20  }
0x9f: {  	s4 =	ssub.s32 $0x0, s20;
	[sflag:s22] =	ssyncset.done $0x0  }
0xa0: {  	[sflag:s22] =	ssyncadd.s32 s4;
	_ =	sdelay $0x1  }
0xa1: {  	s23 =	simm.s32 $0x1B8B  }
0xa2: {  	_ =	swait.ge [sflag:s23], $0x1  }
0xa3: {  	[sflag:s23] =	ssyncset.done $0x0  }
0xa4: {  	s25 =	simm.s32 $0x1B8E;
	s24 =	sld [smem:$0x3FFE];
	[sflag:s23] =	ssyncadd.s32 $0xFFFFFFFF  }
0xa5: {  	s26 =	simm.s32 $execute0_lowered;
	[smem:$0x3FD2] =	sst s25  }
0xa6: {  	s5 =	sshll.u32 s26, $0x1;
	_ =	strace $0x80000046;
	[dreg:$0x1] =	wrdreg $0xFFFFFFFF  }
0xa7: {  	s28 =	simm.s32 $_size_execute0_lowered;
	s3 =	sadd.s32 s3, s5;
	[dreg:$0x0] =	wrdreg $0x0  }
0xa8: {  	s5 =	sshll.u32 s28, $0x1;
	[dreg:$0x2] =	wrdreg s3  }
0xa9: {  	[dreg:$0x3] =	wrdreg s5  }
0xaa: {  	[dreg:$0x4] =	wrdreg $0xC0  }
0xab: {  	_ =	task [dreg:s7], $0x5FFFF  }
0xac: {  	[dreg:$0x1] =	wrdreg $0xFFFFFFFF  }
0xad: {  	[dreg:$0x0] =	wrdreg $0x60  }
0xae: {  	[dreg:$0x2] =	wrdreg s24  }
0xaf: {  	[dreg:$0x3] =	wrdreg s2  }
0xb0: {  	[dreg:$0x4] =	wrdreg $0xE1800  }
0xb1: {  	[dreg:$0x5] =	wrdreg $0x9  }
0xb2: {  	_ =	task.clear_ibuf [dreg:s7], $0x6FFFF;
	_ =	strace $0x90000046  }
0xb3: {  	s29 =	simm.s32 $0x9;
	_ =	strace $0x80000048  }
0xb4: {  	_ =	swait.ge [sflag:s29], $0x1  }
0xb5: {  	[sflag:s29] =	ssyncadd.s32 $0xFFFFFFFF  }
0xb6: {  	_ =	strace $0x90000048  }
0xb7: {  	_ =	sfence  }
0xb8: {  	s30 =	sld [smem:$0x0];
	_ =	sdelay $0x2  }
0xb9: {  	s31 =	sshll.u32 s1, $0xD;
	s1 =	sshrl.u32 s1, $0x2  }
0xba: {  	s3 =	sand.u32 $0x4000, s31;
	s1 =	sadd.s32 s1, s30  }
0xbb: {  	s0 =	sor.u32 s3, s0;
	s1 =	sshll.u32 s1, $0x11  }
0xbc: {  	s0 =	sor.u32 s1, s0  }
0xbd: {  	s0 =	sadd.s32 $0x8F2B, s0  }
0xbe: {  	[sflag:s0] =	ssyncadd.remote.s32 $0x1  }
0xbf: {  	_ =	sfence.sel $0xFFFF  }
0xc0: {  	[dreg:$0x0] =	wrdreg $0xFFFFFFFF;
	(pc) =	sbr.abs _section_cstart, $3  }
0xc1: {  	[dreg:$0x1] =	wrdreg $0xFFFFFFFF  }
0xc2: {  	_ =	task.clear_ibuf [dreg:s7], $0x2FFFF;
	_ =	strace $0x9FFFFFFF  }
0xc3: {  	(tm) =	ssettm $0x7FFFFFFF  }
tec
execute0_lowered:
.L_overlay_start_1:
0x0: {  	(tag) =	ssettag $0x1  }
0x1: {  	s6 =	rddreg [dreg:$0x0]  }
0x2: {  	s2 =	rddreg [dreg:$0x1]  }
0x3: {  	s0 =	srdreg.scid;
	s3 =	rddreg [dreg:$0x2]  }
0x4: {  	s1 =	rddreg [dreg:$0x3];
	s7 =	sand.u32 $0x1, s0  }
0x5: {  	s4 =	simm.s32 $0x0;
	s0 =	stileid.u32;
	s5 =	smul.u32 $0x4E800, s7  }
0x6: {  	s12 =	simm.s32 $0x4180;
	s13 =	simm.s32 $0x2;
	s8 =	smul.u32 $0x4E80, s0  }
0x7: {  	s14 =	simm.s32 $0x80;
	s15 =	simm.s32 $0x180;
	s30 =	smul.u32 $0x140, s0  }
0x8: {  	s16 =	simm.s32 $0x1;
	s17 =	simm.s32 $0x100;
	s9 =	smul.u32 $0x2800, s7  }
0x9: {  	[smem:$0x7FF] =	sst s4;
	s10 =	smul.u32 $0x28000, s0;
	s7 =	ssub.s32 $0x2, s7  }
0xa: {  	s18 =	simm.s32 $0x0;
	_ =	strace $0x80000047;
	s31 =	sshrl.u32 s7, $0x1  }
0xb: {  	s5 =	sadd.s32 s8, s5;
	s8 =	sadd.s32 s30, s9;
	s10 =	sshrl.u32 s10, $0x2  }
0xc: {  	s9 =	ssub.s32 s7, s31;
	s5 =	sshrl.u32 s5, $0x3;
	s8 =	sshll.u32 s8, $0x4  }
0xd: {  	s9 =	smax.u32 s9, $0x1;
	s11 =	sadd.s32 s5, s6;
	s8 =	sadd.s32 s8, s6  }
0xe: {  	s5 =	sadd.s32 $0x2D400, s6;
	s6 =	sadd.s32 s10, s3;
	s7 =	sadd.s32 $0x7B800, s8  }
0xf: {  	s8 =	sadd.s32 $0x8F800, s8;
	s10 =	sadd.s32 $0x19A00, s11;
	s11 =	sadd.s32 $0x5C00, s11  }
.LBB2_1:
0x10: {  	[tilespmem:s12], [sflag:$0x2] =	stream.linear.gather [hbm4b:s2+s4], $0xA000, $0x38;
	[tilespmem:$0x18180] =	vst v63  }
0x11: {  	_ =	swait.ge [sflag:s13], $0xA000  }
0x12: {  	[sflag:s13] =	ssyncset.done $0x0  }
0x13: {  	[sflag:s13] =	ssyncadd.s32 $0xFFFF6000  }
0x14: {  	[spmem:s6] =	stream.linear.scatter [tilespmem:s12], [sflag:$0x2], $0xA000, $0x38;
	[tilespmem:$0x18180] =	vst v63  }
0x15: {  	_ =	swait.ge [sflag:s13], $0xA000  }
0x16: {  	[sflag:s13] =	ssyncset.done $0x0  }
0x17: {  	[sflag:s13] =	ssyncadd.s32 $0xFFFF6000  }
0x18: {  	s19 =	sadd.s32 $0x0, s11;
	[bflag:$0x0] =	sbarrier.arrive $0xFFFF  }
0x19: {  	[tilespmem:s4], [sflag:$0x2] =	stream.linear.gather [hbm4b:s19+s4], $0x80, $0x38;
	[tilespmem:$0x18180] =	vst v63  }
0x1a: {  	_ =	swait.ge [sflag:s13], $0x80  }
0x1b: {  	[sflag:s13] =	ssyncset.done $0x0  }
0x1c: {  	s31 =	sadd.s32 $0x0, s10;
	[sflag:s13] =	ssyncadd.s32 $0xFFFFFF80  }
0x1d: {  	[tilespmem:s14], [sflag:$0x2] =	stream.linear.gather [hbm4b:s31+s4], $0x80, $0x38;
	[tilespmem:$0x18180] =	vst v63  }
0x1e: {  	_ =	swait.ge [sflag:s13], $0x80  }
0x1f: {  	[sflag:s13] =	ssyncset.done $0x0  }
0x20: {  	[sflag:s13] =	ssyncadd.s32 $0xFFFFFF80  }
0x21: {  	v0 =	vld [tilespmem:$0xF0]  }
0x22: {  	v1 =	vld [tilespmem:$0xB0]  }
0x23: {  	v2 =	vld [tilespmem:$0xD0]  }
0x24: {  	v3 =	vld [tilespmem:$0xE0]  }
0x25: {  	v4 =	vld [tilespmem:$0xA0]  }
0x26: {  	v5 =	vld [tilespmem:$0x90];
	v0 =	vmin.u32 v0, $0x13C0  }
0x27: {  	v6 =	vld [tilespmem:$0xC0];
	v1 =	vmin.u32 v1, $0x13C0;
	[tilespmem:$0x170] =	vst v0  }
0x28: {  	v58 =	vld [tilespmem:$0x80];
	v59 =	vmin.u32 v2, $0x13C0;
	[tilespmem:$0x130] =	vst v1  }
0x29: {  	v60 =	vmin.u32 v3, $0x13C0;
	[tilespmem:$0x150] =	vst v59  }
0x2a: {  	v61 =	vmin.u32 v4, $0x13C0;
	[tilespmem:$0x160] =	vst v60  }
0x2b: {  	v62 =	vmin.u32 v5, $0x13C0;
	[tilespmem:$0x120] =	vst v61  }
0x2c: {  	v63 =	vmin.u32 v6, $0x13C0;
	[tilespmem:$0x110] =	vst v62  }
0x2d: {  	v0 =	vmin.u32 v58, $0x13C0;
	[tilespmem:$0x140] =	vst v63  }
0x2e: {  	s19 =	simm.s32 $0x10;
	[tilespmem:$0x100] =	vst v0  }
.LBB2_2:
0x2f: {  	[tilespmem:s15], [sflag:$0x1] =	stream.indirect.gather [hbm4b:s5+s14], $0x80, s4, s14, $0xb8;
	[tilespmem:$0x18180] =	vst v63  }
0x30: {  	s20 =	smov.u32 s19  }
0x31: {  	p0 =	sne.s32 s19, $0x9C0;
	s19 =	sadd.s32 $0x10, s19;
	_ =	swait.ge [sflag:s16], $0x4000  }
0x32: {  	[sflag:s16] =	ssyncset.done $0x0  }
0x33: {  	[sflag:s16] =	ssyncadd.s32 $0xFFFFC000  }
0x34: {  	[spmem:s3] =	stream.indirect.scatter.add.f32 [tilespmem:s15], [sflag:$0x2], $0x80, s17, s14, $0xb8;
	[tilespmem:$0x18180] =	vst v63  }
0x35: {  	_ =	swait.ge [sflag:s13], $0x4000  }
0x36: {  	[sflag:s13] =	ssyncset.done $0x0  }
0x37: {  	s21 =	sadd.s32 s20, s11;
	[sflag:s13] =	ssyncadd.s32 $0xFFFFC000  }
0x38: {  	[tilespmem:s4], [sflag:$0x2] =	stream.linear.gather [hbm4b:s21+s4], $0x80, $0x38;
	[tilespmem:$0x18180] =	vst v63  }
0x39: {  	_ =	swait.ge [sflag:s13], $0x80  }
0x3a: {  	[sflag:s13] =	ssyncset.done $0x0  }
0x3b: {  	s20 =	sadd.s32 s20, s10;
	[sflag:s13] =	ssyncadd.s32 $0xFFFFFF80  }
0x3c: {  	[tilespmem:s14], [sflag:$0x2] =	stream.linear.gather [hbm4b:s20+s4], $0x80, $0x38;
	[tilespmem:$0x18180] =	vst v63  }
0x3d: {  	_ =	swait.ge [sflag:s13], $0x80  }
0x3e: {  	[sflag:s13] =	ssyncset.done $0x0  }
0x3f: {  	[sflag:s13] =	ssyncadd.s32 $0xFFFFFF80  }
0x40: {  	v0 =	vld [tilespmem:$0xF0]  }
0x41: {  	v1 =	vld [tilespmem:$0xB0]  }
0x42: {  	v2 =	vld [tilespmem:$0xD0]  }
0x43: {  	v3 =	vld [tilespmem:$0xE0]  }
0x44: {  	v4 =	vld [tilespmem:$0xA0]  }
0x45: {  	v5 =	vld [tilespmem:$0x90];
	v0 =	vmin.u32 v0, $0x13C0  }
0x46: {  	v1 =	vmin.u32 v1, $0x13C0;
	v6 =	vld [tilespmem:$0xC0];
	[tilespmem:$0x170] =	vst v0  }
0x47: {  	v0 =	vld [tilespmem:$0x80];
	[tilespmem:$0x130] =	vst v1;
	v1 =	vmin.u32 v2, $0x13C0  }
0x48: {  	[tilespmem:$0x150] =	vst v1;
	v1 =	vmin.u32 v3, $0x13C0  }
.Ltmp0:
0x49: {  	v2 =	vmin.u32 v4, $0x13C0;
	[tilespmem:$0x160] =	vst v1;
	(pc) =	sbr.rel @p0 .LBB2_2-.Ltmp0, $4  }
0x4a: {  	v1 =	vmin.u32 v5, $0x13C0;
	[tilespmem:$0x120] =	vst v2  }
0x4b: {  	[tilespmem:$0x110] =	vst v1;
	v1 =	vmin.u32 v6, $0x13C0  }
0x4c: {  	v0 =	vmin.u32 v0, $0x13C0;
	[tilespmem:$0x140] =	vst v1  }
0x4d: {  	[tilespmem:$0x100] =	vst v0  }
0x4e: {  	[tilespmem:s15], [sflag:$0x1] =	stream.indirect.gather [hbm4b:s5+s14], $0x80, s4, s14, $0xb8;
	[tilespmem:$0x18180] =	vst v63  }
0x4f: {  	_ =	swait.ge [sflag:s16], $0x4000  }
0x50: {  	[sflag:s16] =	ssyncset.done $0x0  }
0x51: {  	[sflag:s16] =	ssyncadd.s32 $0xFFFFC000  }
0x52: {  	[spmem:s3] =	stream.indirect.scatter.add.f32 [tilespmem:s15], [sflag:$0x2], $0x80, s17, s14, $0xb8;
	[tilespmem:$0x18180] =	vst v63  }
0x53: {  	_ =	swait.ge [sflag:s13], $0x4000  }
0x54: {  	[sflag:s13] =	ssyncset.done $0x0  }
0x55: {  	[sflag:s13] =	ssyncadd.s32 $0xFFFFC000  }
0x56: {  	[bflag:$0x0] =	sbarrier.arrive $0xFFFF  }
0x57: {  	[tilespmem:s12], [sflag:$0x2] =	stream.linear.gather [spmem:s6], $0xA000, $0x38;
	[tilespmem:$0x18180] =	vst v63  }
0x58: {  	_ =	swait.ge [sflag:s13], $0xA000  }
0x59: {  	[sflag:s13] =	ssyncset.done $0x0  }
0x5a: {  	s19 =	simm.s32 $0x0;
	[sflag:s13] =	ssyncadd.s32 $0xFFFF6000  }
0x5b: {  	[hbm4b:s7+s19] =	stream.linear.scatter [tilespmem:s12], [sflag:$0x2], $0xA000, $0x38;
	[tilespmem:$0x18180] =	vst v63  }
0x5c: {  	_ =	swait.ge [sflag:s13], $0xA000  }
0x5d: {  	[sflag:s13] =	ssyncset.done $0x0  }
0x5e: {  	[sflag:s13] =	ssyncadd.s32 $0xFFFF6000  }
0x5f: {  	[bflag:$0x0] =	sbarrier.arrive $0xFFFF  }
0x60: {  	[tilespmem:s12], [sflag:$0x2] =	stream.linear.gather [hbm4b:s2+s19], $0xA000, $0x38;
	[tilespmem:$0x18180] =	vst v63  }
0x61: {  	_ =	swait.ge [sflag:s13], $0xA000  }
0x62: {  	[sflag:s13] =	ssyncset.done $0x0  }
0x63: {  	[sflag:s13] =	ssyncadd.s32 $0xFFFF6000  }
0x64: {  	[spmem:s6] =	stream.linear.scatter [tilespmem:s12], [sflag:$0x2], $0xA000, $0x38;
	[tilespmem:$0x18180] =	vst v63  }
0x65: {  	_ =	swait.ge [sflag:s13], $0xA000  }
0x66: {  	[sflag:s13] =	ssyncset.done $0x0  }
0x67: {  	[sflag:s13] =	ssyncadd.s32 $0xFFFF6000  }
0x68: {  	s30 =	sadd.s32 $0x0, s11;
	[bflag:$0x0] =	sbarrier.arrive $0xFFFF  }
0x69: {  	[tilespmem:s4], [sflag:$0x2] =	stream.linear.gather [hbm4b:s30+s4], $0x80, $0x38;
	[tilespmem:$0x18180] =	vst v63  }
0x6a: {  	_ =	swait.ge [sflag:s13], $0x80  }
0x6b: {  	[sflag:s13] =	ssyncset.done $0x0  }
0x6c: {  	s31 =	sadd.s32 $0x0, s10;
	[sflag:s13] =	ssyncadd.s32 $0xFFFFFF80  }
0x6d: {  	[tilespmem:s14], [sflag:$0x2] =	stream.linear.gather [hbm4b:s31+s4], $0x80, $0x38;
	[tilespmem:$0x18180] =	vst v63  }
0x6e: {  	_ =	swait.ge [sflag:s13], $0x80  }
0x6f: {  	[sflag:s13] =	ssyncset.done $0x0  }
0x70: {  	[sflag:s13] =	ssyncadd.s32 $0xFFFFFF80  }
0x71: {  	v0 =	vld [tilespmem:$0xD0]  }
0x72: {  	v1 =	vld [tilespmem:$0xB0]  }
0x73: {  	v2 =	vld [tilespmem:$0xA0]  }
0x74: {  	v3 =	vld [tilespmem:$0x90]  }
0x75: {  	v4 =	vld [tilespmem:$0xC0]  }
0x76: {  	v5 =	vld [tilespmem:$0x80];
	v0 =	vadd.s32 $0xFFFFEC40, v0  }
0x77: {  	v6 =	vld [tilespmem:$0xE0];
	v1 =	vadd.s32 $0xFFFFEC40, v1;
	v0 =	vmin.u32 v0, $0x13C0  }
0x78: {  	v7 =	vld [tilespmem:$0xF0];
	v2 =	vadd.s32 $0xFFFFEC40, v2;
	v1 =	vmin.u32 v1, $0x13C0;
	[tilespmem:$0x150] =	vst v0  }
0x79: {  	v2 =	vmin.u32 v2, $0x13C0;
	v0 =	vadd.s32 $0xFFFFEC40, v3;
	[tilespmem:$0x130] =	vst v1  }
0x7a: {  	[tilespmem:$0x120] =	vst v2;
	v1 =	vadd.s32 $0xFFFFEC40, v4;
	v0 =	vmin.u32 v0, $0x13C0  }
0x7b: {  	v2 =	vadd.s32 $0xFFFFEC40, v5;
	[tilespmem:$0x110] =	vst v0;
	v0 =	vmin.u32 v1, $0x13C0  }
0x7c: {  	v1 =	vmin.u32 v2, $0x13C0;
	[tilespmem:$0x140] =	vst v0;
	v0 =	vadd.s32 $0xFFFFEC40, v6  }
0x7d: {  	s19 =	simm.s32 $0x10;
	[tilespmem:$0x100] =	vst v1;
	v1 =	vadd.s32 $0xFFFFEC40, v7;
	v0 =	vmin.u32 v0, $0x13C0  }
.LBB2_4:
0x7e: {  	p0 =	sne.s32 s19, $0x9C0;
	[tilespmem:$0x160] =	vst v0;
	v0 =	vmin.u32 v1, $0x13C0;
	s20 =	smov.u32 s19;
	s19 =	sadd.s32 $0x10, s19  }
0x7f: {  	[tilespmem:$0x170] =	vst v0  }
0x80: {  	[tilespmem:s15], [sflag:$0x1] =	stream.indirect.gather [hbm4b:s5+s14], $0x80, s4, s14, $0xb8;
	[tilespmem:$0x18180] =	vst v63  }
0x81: {  	_ =	swait.ge [sflag:s16], $0x4000  }
0x82: {  	[sflag:s16] =	ssyncset.done $0x0  }
0x83: {  	[sflag:s16] =	ssyncadd.s32 $0xFFFFC000  }
0x84: {  	[spmem:s3] =	stream.indirect.scatter.add.f32 [tilespmem:s15], [sflag:$0x2], $0x80, s17, s14, $0xb8;
	[tilespmem:$0x18180] =	vst v63  }
0x85: {  	s21 =	sadd.s32 s20, s11;
	_ =	swait.ge [sflag:s13], $0x4000  }
0x86: {  	[sflag:s13] =	ssyncset.done $0x0  }
0x87: {  	[sflag:s13] =	ssyncadd.s32 $0xFFFFC000  }
0x88: {  	[tilespmem:s4], [sflag:$0x2] =	stream.linear.gather [hbm4b:s21+s4], $0x80, $0x38;
	[tilespmem:$0x18180] =	vst v63  }
0x89: {  	_ =	swait.ge [sflag:s13], $0x80  }
0x8a: {  	[sflag:s13] =	ssyncset.done $0x0  }
0x8b: {  	s20 =	sadd.s32 s20, s10;
	[sflag:s13] =	ssyncadd.s32 $0xFFFFFF80  }
0x8c: {  	[tilespmem:s14], [sflag:$0x2] =	stream.linear.gather [hbm4b:s20+s4], $0x80, $0x38;
	[tilespmem:$0x18180] =	vst v63  }
0x8d: {  	_ =	swait.ge [sflag:s13], $0x80  }
0x8e: {  	[sflag:s13] =	ssyncset.done $0x0  }
0x8f: {  	[sflag:s13] =	ssyncadd.s32 $0xFFFFFF80  }
0x90: {  	v0 =	vld [tilespmem:$0xD0]  }
0x91: {  	v1 =	vld [tilespmem:$0xB0]  }
0x92: {  	v2 =	vld [tilespmem:$0xA0]  }
0x93: {  	v3 =	vld [tilespmem:$0x90]  }
0x94: {  	v4 =	vld [tilespmem:$0xC0]  }
0x95: {  	v5 =	vld [tilespmem:$0x80];
	v0 =	vadd.s32 $0xFFFFEC40, v0  }
0x96: {  	v1 =	vadd.s32 $0xFFFFEC40, v1;
	v0 =	vmin.u32 v0, $0x13C0;
	v6 =	vld [tilespmem:$0xE0]  }
0x97: {  	v2 =	vadd.s32 $0xFFFFEC40, v2;
	v1 =	vmin.u32 v1, $0x13C0;
	[tilespmem:$0x150] =	vst v0;
	v7 =	vld [tilespmem:$0xF0]  }
.Ltmp1:
0x98: {  	v0 =	vadd.s32 $0xFFFFEC40, v3;
	v2 =	vmin.u32 v2, $0x13C0;
	[tilespmem:$0x130] =	vst v1;
	(pc) =	sbr.rel @p0 .LBB2_4-.Ltmp1, $4  }
0x99: {  	v0 =	vmin.u32 v0, $0x13C0;
	[tilespmem:$0x120] =	vst v2;
	v1 =	vadd.s32 $0xFFFFEC40, v4  }
0x9a: {  	v2 =	vadd.s32 $0xFFFFEC40, v5;
	[tilespmem:$0x110] =	vst v0;
	v0 =	vmin.u32 v1, $0x13C0  }
0x9b: {  	v1 =	vmin.u32 v2, $0x13C0;
	[tilespmem:$0x140] =	vst v0;
	v0 =	vadd.s32 $0xFFFFEC40, v6  }
0x9c: {  	[tilespmem:$0x100] =	vst v1;
	v0 =	vmin.u32 v0, $0x13C0;
	v1 =	vadd.s32 $0xFFFFEC40, v7  }
0x9d: {  	[tilespmem:$0x160] =	vst v0;
	v63 =	vmin.u32 v1, $0x13C0  }
0x9e: {  	[tilespmem:$0x170] =	vst v63  }
0x9f: {  	[tilespmem:s15], [sflag:$0x1] =	stream.indirect.gather [hbm4b:s5+s14], $0x80, s4, s14, $0xb8;
	[tilespmem:$0x18180] =	vst v63  }
0xa0: {  	_ =	swait.ge [sflag:s16], $0x4000  }
0xa1: {  	[sflag:s16] =	ssyncset.done $0x0  }
0xa2: {  	[sflag:s16] =	ssyncadd.s32 $0xFFFFC000  }
0xa3: {  	[spmem:s3] =	stream.indirect.scatter.add.f32 [tilespmem:s15], [sflag:$0x2], $0x80, s17, s14, $0xb8;
	[tilespmem:$0x18180] =	vst v63  }
0xa4: {  	_ =	swait.ge [sflag:s13], $0x4000  }
0xa5: {  	[sflag:s13] =	ssyncset.done $0x0  }
0xa6: {  	[sflag:s13] =	ssyncadd.s32 $0xFFFFC000  }
0xa7: {  	[bflag:$0x0] =	sbarrier.arrive $0xFFFF  }
0xa8: {  	[tilespmem:s12], [sflag:$0x2] =	stream.linear.gather [spmem:s6], $0xA000, $0x38;
	[tilespmem:$0x18180] =	vst v63  }
0xa9: {  	_ =	swait.ge [sflag:s13], $0xA000  }
0xaa: {  	s18 =	sadd.s32 $0x1, s18;
	[sflag:s13] =	ssyncset.done $0x0  }
0xab: {  	p0 =	sne.s32 s18, s9;
	[sflag:s13] =	ssyncadd.s32 $0xFFFF6000  }
0xac: {  	[hbm4b:s8+s4] =	stream.linear.scatter [tilespmem:s12], [sflag:$0x2], $0xA000, $0x38;
	[tilespmem:$0x18180] =	vst v63  }
.Ltmp2:
0xad: {  	_ =	swait.ge [sflag:s13], $0xA000;
	(pc) =	sbr.rel @p0 .LBB2_1-.Ltmp2, $3  }
0xae: {  	[sflag:s13] =	ssyncset.done $0x0  }
0xaf: {  	[sflag:s13] =	ssyncadd.s32 $0xFFFF6000  }
0xb0: {  	[bflag:$0x0] =	sbarrier.arrive $0xFFFF;
	_ =	sdelay $0x1  }
0xb1: {  	_ =	sfence.sel $0x180000  }
0xb2: {  	[bflag:$0x0] =	sbarrier.arrive $0xFFFF  }
0xb3: {  	p0 =	sne.s32 s0, $0x0;
	_ =	strace $0x90000047  }
0xb4: {  	s0 =	sadd.s32 @!p0 $0x100000, s1;
	[bflag:$0x2] =	sbarrier.arrive $0xFFFF  }
0xb5: {  	[sflag:s0] =	ssyncadd.tile.s32 @!p0 $0x1;
	_ =	shalt  }
.Lfunc_end2:
_tile_overlayer_lowered:
.L_overlay_start_2:
0xb6: {  	(tag) =	ssettag $0x2  }
0xb7: {  	s0 =	rddreg [dreg:$0x0];
	s2 =	stileid.u32  }
0xb8: {  	s1 =	rddreg [dreg:$0x1];
	p0 =	sne.s32 s2, $0x0  }
0xb9: {  	s3 =	rddreg [dreg:$0x2];
	[bflag:$0x3] =	sbarrier.arrive $0xFFFF;
	s2 =	simm.s32 @!p0 $0x1C02  }
0xba: {  	[timem:s3], [sflag:s2] =	dma.local @!p0 [hbm:s0], s1  }
0xbb: {  	s0 =	simm.s32 @!p0 $0x2  }
0xbc: {  	_ =	swait.ge @!p0 [sflag:s0], s1  }
0xbd: {  	s1 =	ssub.s32 @!p0 $0x0, s1;
	[sflag:s0] =	ssyncset.done @!p0 $0x0  }
0xbe: {  	[sflag:s0] =	ssyncadd.s32 @!p0 s1  }
0xbf: {  	[bflag:$0x3] =	sbarrier.arrive $0xFFFF  }
0xc0: {  	_ =	shalt  }

</sc_bundles>
